<compile_context>
chip_gen: v7x
topology: tpu7x:2x2x1
jax: 0.10.2.dev20260603
libtpu: 0.0.44.dev20260713+nightly
codegen_flags: <defaults>
</compile_context>

<pallas_src>
import dataclasses

import jax
import jax.numpy as jnp
from jax import lax
from jax.experimental import pallas as pl
from jax.experimental.pallas import tpu as pltpu
from jax.experimental.pallas import tpu_sc as plsc

N_NODES = 16
NUM_TYPES = 1000
EMB = 4
B, H, W = 4096, 32, 32
LANES = 16

NUM_CORES = 2
NUM_SUBCORES = 16
NW = NUM_CORES * NUM_SUBCORES
IDX_PER_W = W * B // 1
ROW_WORDS = W * B
CHUNK_W = 8192
NCHUNK = ROW_WORDS // CHUNK_W
PLANE_WORDS = H * W * B


def _gather_body(gs_hbm, tab_hbm, out_hbm, tab_v, idx_v0, idx_v1,
                 out_v0, out_v1, sem_in0, sem_in1, sem_out0, sem_out1):
    h = lax.axis_index("s") * NUM_CORES + lax.axis_index("c")
    in_base = h * ROW_WORDS
    idx_bufs = (idx_v0, idx_v1)
    out_bufs = (out_v0, out_v1)
    sems_in = (sem_in0, sem_in1)
    sems_out = (sem_out0, sem_out1)

    pltpu.sync_copy(tab_hbm, tab_v)

    def start_in(c, buf):
        off = in_base + c * CHUNK_W
        pltpu.async_copy(gs_hbm.at[pl.ds(off, CHUNK_W)],
                         idx_bufs[buf], sems_in[buf])

    def wait_in(buf):
        pltpu.make_async_copy(gs_hbm.at[pl.ds(0, CHUNK_W)],
                              idx_bufs[buf], sems_in[buf]).wait()

    def start_out(c, buf):
        off = in_base + c * CHUNK_W
        for e in range(EMB):
            pltpu.async_copy(
                out_bufs[buf].at[pl.ds(e * CHUNK_W, CHUNK_W)],
                out_hbm.at[pl.ds(e * PLANE_WORDS + off, CHUNK_W)],
                sems_out[buf])

    def wait_out(buf):
        pltpu.make_async_copy(out_bufs[buf],
                              out_hbm.at[pl.ds(0, EMB * CHUNK_W)],
                              sems_out[buf]).wait()

    def compute(buf):
        idxb = idx_bufs[buf]
        outb = out_bufs[buf]

        @plsc.parallel_loop(0, CHUNK_W // LANES, unroll=8)
        def _(j):
            o = j * LANES
            ii = idxb[pl.ds(o, LANES)]
            outb[pl.ds(o, LANES)] = plsc.load_gather(tab_v, [ii])
            outb[pl.ds(o + CHUNK_W, LANES)] = plsc.load_gather(
                tab_v, [ii + 1024])
            outb[pl.ds(o + 2 * CHUNK_W, LANES)] = plsc.load_gather(
                tab_v, [ii + 2048])
            outb[pl.ds(o + 3 * CHUNK_W, LANES)] = plsc.load_gather(
                tab_v, [ii + 3072])

    start_in(0, 0)
    start_in(1, 1)

    @pl.loop(0, NCHUNK, step=2)
    def _(c):
        for k in (0, 1):
            cc = c + k

            @pl.when(c >= 2)
            def _():
                wait_out(k)

            wait_in(k)
            compute(k)
            start_out(cc, k)

            @pl.when(cc + 2 < NCHUNK)
            def _():
                start_in(cc + 2, k)

    wait_out(0)
    wait_out(1)


@jax.jit
def _sc_gather(gs_lin, tab_flat):
    mesh = plsc.VectorSubcoreMesh(core_axis_name="c", subcore_axis_name="s")
    cp = pltpu.CompilerParams()
    if "needs_layout_passes" in pltpu.CompilerParams.__dataclass_fields__:
        cp = dataclasses.replace(cp, needs_layout_passes=False)
    k = pl.kernel(
        _gather_body,
        out_type=jax.ShapeDtypeStruct((EMB * H * W * B,), jnp.float32),
        mesh=mesh,
        scratch_types=[
            pltpu.VMEM((EMB * 1024,), jnp.float32),
            pltpu.VMEM((CHUNK_W,), jnp.int32),
            pltpu.VMEM((CHUNK_W,), jnp.int32),
            pltpu.VMEM((EMB * CHUNK_W,), jnp.float32),
            pltpu.VMEM((EMB * CHUNK_W,), jnp.float32),
            pltpu.SemaphoreType.DMA,
            pltpu.SemaphoreType.DMA,
            pltpu.SemaphoreType.DMA,
            pltpu.SemaphoreType.DMA,
        ],
        compiler_params=cp,
    )
    return k(gs_lin, tab_flat)


def _gcn_body(a_ref, nt_ref, w0_ref, w1_ref, w2_ref, wf_ref, bf_ref, out_ref):
    hi = lax.Precision.HIGHEST
    nt = ((1,), (1,)), ((), ())
    a = a_ref[...]
    x = jnp.dot(a, nt_ref[...], precision=hi)
    x = jnp.maximum(lax.dot_general(x, w0_ref[...], nt, precision=hi), 0.0)
    x = jnp.dot(a, x, precision=hi)
    x = jnp.maximum(lax.dot_general(x, w1_ref[...], nt, precision=hi), 0.0)
    x = jnp.dot(a, x, precision=hi)
    x = jnp.maximum(lax.dot_general(x, w2_ref[...], nt, precision=hi), 0.0)
    out_ref[...] = lax.dot_general(x, wf_ref[...], nt, precision=hi) \
        + bf_ref[...]


@jax.jit
def _gcn(A, node_table, W0, W1, W2, Wf, bf):
    return pl.pallas_call(
        _gcn_body,
        out_shape=jax.ShapeDtypeStruct((N_NODES, EMB), jnp.float32),
    )(A, node_table, W0, W1, W2, Wf, bf.reshape(1, EMB))


def kernel(game_state, A, obj_table, node_table, W0, W1, W2, Wf, bf):
    gs_lin = (game_state.transpose(1, 2, 0)
              .reshape(H, W // 8, 8, B // 128, 128)
              .transpose(0, 1, 3, 2, 4)
              .reshape(-1))
    tab_flat = jnp.pad(obj_table.T, ((0, 0), (0, 1024 - NUM_TYPES))) \
        .reshape(-1)
    out_lin = _sc_gather(gs_lin, tab_flat)
    out = (out_lin.reshape(EMB, H, W // 8, B // 128, 8, 128)
           .transpose(3, 5, 0, 1, 2, 4)
           .reshape(B, EMB, H, W))
    node_embeddings = _gcn(A, node_table, W0, W1, W2, Wf, bf)
    return (out, node_embeddings)

# --- scband reference (transcript-rebuilt; emitter-appended) ---
"""Pipeline reference for scband-gcn-40424232190035 (READ-ONLY COPY).

The authoritative reference and input builder live on the scoring server;
editing this copy changes nothing except your own understanding.
"""

import jax, jax.numpy as jnp
import numpy as np

N_NODES = 16
NUM_TYPES = 1000
EMB = 4
B, H, W = 4096, 32, 32


def setup_inputs(seed: int = 0) -> dict:
    key = jax.random.key(seed)
    ks = jax.random.split(key, 9)
    game_state = jax.random.randint(ks[0], (B, H, W), 0, NUM_TYPES, dtype=jnp.int32)
    A = jnp.full((N_NODES, N_NODES), 1.0 / N_NODES, dtype=jnp.float32)
    obj_table = jax.random.normal(ks[1], (NUM_TYPES, EMB), dtype=jnp.float32)
    node_table = jax.random.normal(ks[2], (N_NODES, EMB), dtype=jnp.float32)
    # torch Linear weights stored as (out_features, in_features)
    W0 = jax.random.normal(ks[3], (16, EMB), dtype=jnp.float32) * 0.3
    W1 = jax.random.normal(ks[4], (16, 16), dtype=jnp.float32) * 0.2
    W2 = jax.random.normal(ks[5], (16, 16), dtype=jnp.float32) * 0.2
    Wf = jax.random.normal(ks[6], (EMB, 16), dtype=jnp.float32) * 0.2
    bf = jax.random.normal(ks[7], (EMB,), dtype=jnp.float32) * 0.1
    return {"game_state": game_state, "A": A, "obj_table": obj_table,
            "node_table": node_table, "W0": W0, "W1": W1, "W2": W2,
            "Wf": Wf, "bf": bf}


def reference(game_state, A, obj_table, node_table, W0, W1, W2, Wf, bf):
    # gcn_embed(): three rounds of A @ x followed by linear+relu, then final map
    x = A @ node_table
    x = jax.nn.relu(x @ W0.T)
    x = A @ x
    x = jax.nn.relu(x @ W1.T)
    x = A @ x
    x = jax.nn.relu(x @ W2.T)
    node_embeddings = x @ Wf.T + bf
    # embed_state(): embedding gather over flattened grid
    flat = game_state.reshape(-1, H * W)
    emb = jnp.take(obj_table, flat, axis=0)          # [B, H*W, EMB]
    emb = emb.reshape(-1, H, W, EMB)                  # [B, H, W, EMB]
    # idx_2_game_char is empty -> no per-node overwrite; embed_wall=False
    out = jnp.transpose(emb, (0, 3, 1, 2))            # [B, EMB, H, W]
    return (out, node_embeddings)

if __name__ == "__main__":
    import jax
    _d = setup_inputs()
    print(jax.jit(kernel)(*tuple(_d.values())))

</pallas_src>

<mosaic_0001>
#map = affine_map<(d0, d1) -> (0)>
module attributes {stable_mosaic.version = 14 : i64} {
  func.func @_gather_body(%arg0: i32, %arg1: i32, %arg2: memref<4194304xi32, #tpu.memory_space<hbm>>, %arg3: memref<4096xf32, #tpu.memory_space<hbm>>, %arg4: memref<16777216xf32, #tpu.memory_space<hbm>>, %arg5: memref<4096xf32, #tpu.memory_space<vmem>>, %arg6: memref<8192xi32, #tpu.memory_space<vmem>>, %arg7: memref<8192xi32, #tpu.memory_space<vmem>>, %arg8: memref<32768xf32, #tpu.memory_space<vmem>>, %arg9: memref<32768xf32, #tpu.memory_space<vmem>>, %arg10: memref<!tpu.dma_semaphore, #tpu.memory_space<semaphore_mem>>, %arg11: memref<!tpu.dma_semaphore, #tpu.memory_space<semaphore_mem>>, %arg12: memref<!tpu.dma_semaphore, #tpu.memory_space<semaphore_mem>>, %arg13: memref<!tpu.dma_semaphore, #tpu.memory_space<semaphore_mem>>) attributes {dimension_semantics = [#tpu.dimension_semantics<core_parallel>, #tpu.dimension_semantics<subcore_parallel>], iteration_bounds = array<i64: 2, 16>, scalar_prefetch = 0 : i64, scratch_operands = 9 : i64, tpu.core_type = #tpu.core_type<sc_vector_subcore>, window_params = [{transform_indices = #map}, {transform_indices = #map}, {transform_indices = #map}]} {
    %mul3A = arith.constant 2 : i32
    %mul3A_0 = arith.muli %arg1, %mul3A : i32
    %add3A = arith.addi %mul3A_0, %arg0 : i32
    %mul3A_1 = arith.constant 131072 : i32
    %mul3A_2 = arith.muli %add3A, %mul3A_1 : i32
    "tpu.region"() ({
      %run_scoped3A = tpu.sem_alloc : memref<!tpu.dma_semaphore, #tpu.memory_space<semaphore_mem>>
      tpu.enqueue_dma source(%arg3 : memref<4096xf32, #tpu.memory_space<hbm>>) target(%arg5 : memref<4096xf32, #tpu.memory_space<vmem>>) target_semaphore(%run_scoped3A : memref<!tpu.dma_semaphore, #tpu.memory_space<semaphore_mem>>)
      tpu.wait_dma2 semaphore(%run_scoped3A : memref<!tpu.dma_semaphore, #tpu.memory_space<semaphore_mem>>) src(%arg3 : memref<4096xf32, #tpu.memory_space<hbm>>) dst(%arg5 : memref<4096xf32, #tpu.memory_space<vmem>>)
      tpu.yield
    }) : () -> ()
    %add3A_3 = arith.constant 0 : i32
    %add3A_4 = arith.addi %mul3A_2, %add3A_3 : i32
    %dma_start3A = tpu.memref_slice %arg2[%add3A_4] : memref<4194304xi32, #tpu.memory_space<hbm>> -> memref<8192xi32, #tpu.memory_space<hbm>>
    %dma_start3A_5 = tpu.memref_slice %arg2[%add3A_4] : memref<4194304xi32, #tpu.memory_space<hbm>> -> memref<8192xi32, #tpu.memory_space<hbm>>
    tpu.enqueue_dma source(%dma_start3A_5 : memref<8192xi32, #tpu.memory_space<hbm>>) target(%arg6 : memref<8192xi32, #tpu.memory_space<vmem>>) target_semaphore(%arg10 : memref<!tpu.dma_semaphore, #tpu.memory_space<semaphore_mem>>)
    %add3A_6 = arith.constant 8192 : i32
    %add3A_7 = arith.addi %mul3A_2, %add3A_6 : i32
    %dma_start3A_8 = tpu.memref_slice %arg2[%add3A_7] : memref<4194304xi32, #tpu.memory_space<hbm>> -> memref<8192xi32, #tpu.memory_space<hbm>>
    %dma_start3A_9 = tpu.memref_slice %arg2[%add3A_7] : memref<4194304xi32, #tpu.memory_space<hbm>> -> memref<8192xi32, #tpu.memory_space<hbm>>
    tpu.enqueue_dma source(%dma_start3A_9 : memref<8192xi32, #tpu.memory_space<hbm>>) target(%arg7 : memref<8192xi32, #tpu.memory_space<vmem>>) target_semaphore(%arg11 : memref<!tpu.dma_semaphore, #tpu.memory_space<semaphore_mem>>)
    %scan3A = arith.constant 0 : i32
    %scan3A_10 = arith.constant 8 : i32
    %scan3A_11 = arith.addi %scan3A, %scan3A_10 : i32
    %scan3A_12 = arith.constant 1 : i32
    scf.for %scan3A_21 = %scan3A to %scan3A_11 step %scan3A_12  : i32 {
      %mul3A_22 = arith.constant 2 : i32
      %mul3A_23 = arith.muli %scan3A_21, %mul3A_22 : i32
      %add3A_24 = arith.constant 0 : i32
      %add3A_25 = arith.addi %add3A_24, %mul3A_23 : i32
      %add3A_26 = arith.constant 0 : i32
      %add3A_27 = arith.addi %add3A_25, %add3A_26 : i32
      %ge3A = arith.constant 2 : i32
      %ge3A_28 = arith.cmpi sge, %add3A_25, %ge3A : i32
      %convert_element_type3A = arith.extui %ge3A_28 : i1 to i32
      %cond3A = arith.constant 0 : i32
      %cond3A_29 = arith.cmpi ne, %convert_element_type3A, %cond3A : i32
      scf.if %cond3A_29 {
        %dma_wait3A_133 = arith.constant 0 : i32
        %dma_wait3A_134 = tpu.memref_slice %arg4[%dma_wait3A_133] : memref<16777216xf32, #tpu.memory_space<hbm>> -> memref<32768xf32, #tpu.memory_space<hbm>>
        %dma_wait3A_135 = arith.constant 0 : i32
        %dma_wait3A_136 = tpu.memref_slice %arg4[%dma_wait3A_135] : memref<16777216xf32, #tpu.memory_space<hbm>> -> memref<32768xf32, #tpu.memory_space<hbm>>
        tpu.wait_dma2 semaphore(%arg12 : memref<!tpu.dma_semaphore, #tpu.memory_space<semaphore_mem>>) src(%arg8 : memref<32768xf32, #tpu.memory_space<vmem>>) dst(%dma_wait3A_136 : memref<32768xf32, #tpu.memory_space<hbm>>)
      } else {
      }
      %dma_wait3A_30 = arith.constant 0 : i32
      %dma_wait3A_31 = tpu.memref_slice %arg2[%dma_wait3A_30] : memref<4194304xi32, #tpu.memory_space<hbm>> -> memref<8192xi32, #tpu.memory_space<hbm>>
      %dma_wait3A_32 = arith.constant 0 : i32
      %dma_wait3A_33 = tpu.memref_slice %arg2[%dma_wait3A_32] : memref<4194304xi32, #tpu.memory_space<hbm>> -> memref<8192xi32, #tpu.memory_space<hbm>>
      tpu.wait_dma2 semaphore(%arg10 : memref<!tpu.dma_semaphore, #tpu.memory_space<semaphore_mem>>) src(%dma_wait3A_33 : memref<8192xi32, #tpu.memory_space<hbm>>) dst(%arg6 : memref<8192xi32, #tpu.memory_space<vmem>>)
      %parallel_loop3A = arith.constant 0 : i32
      %parallel_loop3A_34 = arith.constant 512 : i32
      %parallel_loop3A_35 = arith.constant 1 : i32
      scf.for %parallel_loop3A_133 = %parallel_loop3A to %parallel_loop3A_34 step %parallel_loop3A_35  : i32 {
        %parallel_loop3A_134 = arith.constant 16 : i32
        %parallel_loop3A_135 = arith.muli %parallel_loop3A_133, %parallel_loop3A_134 : i32
        %parallel_loop3A_136 = arith.index_cast %parallel_loop3A_135 : i32 to index
        %parallel_loop3A_137 = tpu.vector_load %arg6[%parallel_loop3A_136] {strides = array<i32>} : memref<8192xi32, #tpu.memory_space<vmem>>, vector<16xi32>,
        %parallel_loop3A_138 = tpu.vector_load_idx %arg5[%parallel_loop3A_137] : memref<4096xf32, #tpu.memory_space<vmem>>[vector<16xi32>], vector<16xf32>,
        %parallel_loop3A_139 = arith.index_cast %parallel_loop3A_135 : i32 to index
        %parallel_loop3A_140 = tpu.vector_load %arg8[%parallel_loop3A_139] {strides = array<i32>} : memref<32768xf32, #tpu.memory_space<vmem>>, vector<16xf32>,
        tpu.vector_store %arg8[%parallel_loop3A_139], %parallel_loop3A_138 {strides = array<i32>} : memref<32768xf32, #tpu.memory_space<vmem>>, vector<16xf32>,
        %parallel_loop3A_141 = arith.constant 1024 : i32
        %parallel_loop3A_142 = vector.broadcast %parallel_loop3A_141 : i32 to vector<16xi32>
        %parallel_loop3A_143 = arith.addi %parallel_loop3A_137, %parallel_loop3A_142 : vector<16xi32>
        %parallel_loop3A_144 = tpu.vector_load_idx %arg5[%parallel_loop3A_143] : memref<4096xf32, #tpu.memory_space<vmem>>[vector<16xi32>], vector<16xf32>,
        %parallel_loop3A_145 = arith.constant 8192 : i32
        %parallel_loop3A_146 = arith.addi %parallel_loop3A_135, %parallel_loop3A_145 : i32
        %parallel_loop3A_147 = arith.index_cast %parallel_loop3A_146 : i32 to index
        %parallel_loop3A_148 = tpu.vector_load %arg8[%parallel_loop3A_147] {strides = array<i32>} : memref<32768xf32, #tpu.memory_space<vmem>>, vector<16xf32>,
        tpu.vector_store %arg8[%parallel_loop3A_147], %parallel_loop3A_144 {strides = array<i32>} : memref<32768xf32, #tpu.memory_space<vmem>>, vector<16xf32>,
        %parallel_loop3A_149 = arith.constant 2048 : i32
        %parallel_loop3A_150 = vector.broadcast %parallel_loop3A_149 : i32 to vector<16xi32>
        %parallel_loop3A_151 = arith.addi %parallel_loop3A_137, %parallel_loop3A_150 : vector<16xi32>
        %parallel_loop3A_152 = tpu.vector_load_idx %arg5[%parallel_loop3A_151] : memref<4096xf32, #tpu.memory_space<vmem>>[vector<16xi32>], vector<16xf32>,
        %parallel_loop3A_153 = arith.constant 16384 : i32
        %parallel_loop3A_154 = arith.addi %parallel_loop3A_135, %parallel_loop3A_153 : i32
        %parallel_loop3A_155 = arith.index_cast %parallel_loop3A_154 : i32 to index
        %parallel_loop3A_156 = tpu.vector_load %arg8[%parallel_loop3A_155] {strides = array<i32>} : memref<32768xf32, #tpu.memory_space<vmem>>, vector<16xf32>,
        tpu.vector_store %arg8[%parallel_loop3A_155], %parallel_loop3A_152 {strides = array<i32>} : memref<32768xf32, #tpu.memory_space<vmem>>, vector<16xf32>,
        %parallel_loop3A_157 = arith.constant 3072 : i32
        %parallel_loop3A_158 = vector.broadcast %parallel_loop3A_157 : i32 to vector<16xi32>
        %parallel_loop3A_159 = arith.addi %parallel_loop3A_137, %parallel_loop3A_158 : vector<16xi32>
        %parallel_loop3A_160 = tpu.vector_load_idx %arg5[%parallel_loop3A_159] : memref<4096xf32, #tpu.memory_space<vmem>>[vector<16xi32>], vector<16xf32>,
        %parallel_loop3A_161 = arith.constant 24576 : i32
        %parallel_loop3A_162 = arith.addi %parallel_loop3A_135, %parallel_loop3A_161 : i32
        %parallel_loop3A_163 = arith.index_cast %parallel_loop3A_162 : i32 to index
        %parallel_loop3A_164 = tpu.vector_load %arg8[%parallel_loop3A_163] {strides = array<i32>} : memref<32768xf32, #tpu.memory_space<vmem>>, vector<16xf32>,
        tpu.vector_store %arg8[%parallel_loop3A_163], %parallel_loop3A_160 {strides = array<i32>} : memref<32768xf32, #tpu.memory_space<vmem>>, vector<16xf32>,
      } {sc.loop_unroll_factor = 8 : i64, sc.parallel_access}
      %mul3A_36 = arith.constant 8192 : i32
      %mul3A_37 = arith.muli %add3A_27, %mul3A_36 : i32
      %add3A_38 = arith.addi %mul3A_2, %mul3A_37 : i32
      %add3A_39 = arith.constant 0 : i32
      %add3A_40 = arith.addi %add3A_39, %add3A_38 : i32
      %dma_start3A_41 = arith.constant 0 : i32
      %dma_start3A_42 = tpu.memref_slice %arg8[%dma_start3A_41] : memref<32768xf32, #tpu.memory_space<vmem>> -> memref<8192xf32, #tpu.memory_space<vmem>>
      %dma_start3A_43 = tpu.memref_slice %arg4[%add3A_40] : memref<16777216xf32, #tpu.memory_space<hbm>> -> memref<8192xf32, #tpu.memory_space<hbm>>
      %dma_start3A_44 = tpu.memref_slice %arg4[%add3A_40] : memref<16777216xf32, #tpu.memory_space<hbm>> -> memref<8192xf32, #tpu.memory_space<hbm>>
      %dma_start3A_45 = arith.constant 0 : i32
      %dma_start3A_46 = tpu.memref_slice %arg8[%dma_start3A_45] : memref<32768xf32, #tpu.memory_space<vmem>> -> memref<8192xf32, #tpu.memory_space<vmem>>
      tpu.enqueue_dma source(%dma_start3A_46 : memref<8192xf32, #tpu.memory_space<vmem>>) target(%dma_start3A_44 : memref<8192xf32, #tpu.memory_space<hbm>>) target_semaphore(%arg12 : memref<!tpu.dma_semaphore, #tpu.memory_space<semaphore_mem>>)
      %add3A_47 = arith.constant 4194304 : i32
      %add3A_48 = arith.addi %add3A_47, %add3A_38 : i32
      %dma_start3A_49 = arith.constant 8192 : i32
      %dma_start3A_50 = tpu.memref_slice %arg8[%dma_start3A_49] : memref<32768xf32, #tpu.memory_space<vmem>> -> memref<8192xf32, #tpu.memory_space<vmem>>
      %dma_start3A_51 = tpu.memref_slice %arg4[%add3A_48] : memref<16777216xf32, #tpu.memory_space<hbm>> -> memref<8192xf32, #tpu.memory_space<hbm>>
      %dma_start3A_52 = tpu.memref_slice %arg4[%add3A_48] : memref<16777216xf32, #tpu.memory_space<hbm>> -> memref<8192xf32, #tpu.memory_space<hbm>>
      %dma_start3A_53 = arith.constant 8192 : i32
      %dma_start3A_54 = tpu.memref_slice %arg8[%dma_start3A_53] : memref<32768xf32, #tpu.memory_space<vmem>> -> memref<8192xf32, #tpu.memory_space<vmem>>
      tpu.enqueue_dma source(%dma_start3A_54 : memref<8192xf32, #tpu.memory_space<vmem>>) target(%dma_start3A_52 : memref<8192xf32, #tpu.memory_space<hbm>>) target_semaphore(%arg12 : memref<!tpu.dma_semaphore, #tpu.memory_space<semaphore_mem>>)
      %add3A_55 = arith.constant 8388608 : i32
      %add3A_56 = arith.addi %add3A_55, %add3A_38 : i32
      %dma_start3A_57 = arith.constant 16384 : i32
      %dma_start3A_58 = tpu.memref_slice %arg8[%dma_start3A_57] : memref<32768xf32, #tpu.memory_space<vmem>> -> memref<8192xf32, #tpu.memory_space<vmem>>
      %dma_start3A_59 = tpu.memref_slice %arg4[%add3A_56] : memref<16777216xf32, #tpu.memory_space<hbm>> -> memref<8192xf32, #tpu.memory_space<hbm>>
      %dma_start3A_60 = tpu.memref_slice %arg4[%add3A_56] : memref<16777216xf32, #tpu.memory_space<hbm>> -> memref<8192xf32, #tpu.memory_space<hbm>>
      %dma_start3A_61 = arith.constant 16384 : i32
      %dma_start3A_62 = tpu.memref_slice %arg8[%dma_start3A_61] : memref<32768xf32, #tpu.memory_space<vmem>> -> memref<8192xf32, #tpu.memory_space<vmem>>
      tpu.enqueue_dma source(%dma_start3A_62 : memref<8192xf32, #tpu.memory_space<vmem>>) target(%dma_start3A_60 : memref<8192xf32, #tpu.memory_space<hbm>>) target_semaphore(%arg12 : memref<!tpu.dma_semaphore, #tpu.memory_space<semaphore_mem>>)
      %add3A_63 = arith.constant 12582912 : i32
      %add3A_64 = arith.addi %add3A_63, %add3A_38 : i32
      %dma_start3A_65 = arith.constant 24576 : i32
      %dma_start3A_66 = tpu.memref_slice %arg8[%dma_start3A_65] : memref<32768xf32, #tpu.memory_space<vmem>> -> memref<8192xf32, #tpu.memory_space<vmem>>
      %dma_start3A_67 = tpu.memref_slice %arg4[%add3A_64] : memref<16777216xf32, #tpu.memory_space<hbm>> -> memref<8192xf32, #tpu.memory_space<hbm>>
      %dma_start3A_68 = tpu.memref_slice %arg4[%add3A_64] : memref<16777216xf32, #tpu.memory_space<hbm>> -> memref<8192xf32, #tpu.memory_space<hbm>>
      %dma_start3A_69 = arith.constant 24576 : i32
      %dma_start3A_70 = tpu.memref_slice %arg8[%dma_start3A_69] : memref<32768xf32, #tpu.memory_space<vmem>> -> memref<8192xf32, #tpu.memory_space<vmem>>
      tpu.enqueue_dma source(%dma_start3A_70 : memref<8192xf32, #tpu.memory_space<vmem>>) target(%dma_start3A_68 : memref<8192xf32, #tpu.memory_space<hbm>>) target_semaphore(%arg12 : memref<!tpu.dma_semaphore, #tpu.memory_space<semaphore_mem>>)
      %add3A_71 = arith.constant 2 : i32
      %add3A_72 = arith.addi %add3A_27, %add3A_71 : i32
      %lt3A = arith.constant 16 : i32
      %lt3A_73 = arith.cmpi slt, %add3A_72, %lt3A : i32
      %convert_element_type3A_74 = arith.extui %lt3A_73 : i1 to i32
      %cond3A_75 = arith.constant 0 : i32
      %cond3A_76 = arith.cmpi ne, %convert_element_type3A_74, %cond3A_75 : i32
      scf.if %cond3A_76 {
        %add3A_133 = arith.constant 2 : i32
        %add3A_134 = arith.addi %add3A_27, %add3A_133 : i32
        %mul3A_135 = arith.constant 8192 : i32
        %mul3A_136 = arith.muli %add3A_134, %mul3A_135 : i32
        %add3A_137 = arith.addi %mul3A_2, %mul3A_136 : i32
        %dma_start3A_138 = tpu.memref_slice %arg2[%add3A_137] : memref<4194304xi32, #tpu.memory_space<hbm>> -> memref<8192xi32, #tpu.memory_space<hbm>>
        %dma_start3A_139 = tpu.memref_slice %arg2[%add3A_137] : memref<4194304xi32, #tpu.memory_space<hbm>> -> memref<8192xi32, #tpu.memory_space<hbm>>
        tpu.enqueue_dma source(%dma_start3A_139 : memref<8192xi32, #tpu.memory_space<hbm>>) target(%arg6 : memref<8192xi32, #tpu.memory_space<vmem>>) target_semaphore(%arg10 : memref<!tpu.dma_semaphore, #tpu.memory_space<semaphore_mem>>)
      } else {
      }
      %add3A_77 = arith.constant 1 : i32
      %add3A_78 = arith.addi %add3A_25, %add3A_77 : i32
      %ge3A_79 = arith.constant 2 : i32
      %ge3A_80 = arith.cmpi sge, %add3A_25, %ge3A_79 : i32
      %convert_element_type3A_81 = arith.extui %ge3A_80 : i1 to i32
      %cond3A_82 = arith.constant 0 : i32
      %cond3A_83 = arith.cmpi ne, %convert_element_type3A_81, %cond3A_82 : i32
      scf.if %cond3A_83 {
        %dma_wait3A_133 = arith.constant 0 : i32
        %dma_wait3A_134 = tpu.memref_slice %arg4[%dma_wait3A_133] : memref<16777216xf32, #tpu.memory_space<hbm>> -> memref<32768xf32, #tpu.memory_space<hbm>>
        %dma_wait3A_135 = arith.constant 0 : i32
        %dma_wait3A_136 = tpu.memref_slice %arg4[%dma_wait3A_135] : memref<16777216xf32, #tpu.memory_space<hbm>> -> memref<32768xf32, #tpu.memory_space<hbm>>
        tpu.wait_dma2 semaphore(%arg13 : memref<!tpu.dma_semaphore, #tpu.memory_space<semaphore_mem>>) src(%arg9 : memref<32768xf32, #tpu.memory_space<vmem>>) dst(%dma_wait3A_136 : memref<32768xf32, #tpu.memory_space<hbm>>)
      } else {
      }
      %dma_wait3A_84 = arith.constant 0 : i32
      %dma_wait3A_85 = tpu.memref_slice %arg2[%dma_wait3A_84] : memref<4194304xi32, #tpu.memory_space<hbm>> -> memref<8192xi32, #tpu.memory_space<hbm>>
      %dma_wait3A_86 = arith.constant 0 : i32
      %dma_wait3A_87 = tpu.memref_slice %arg2[%dma_wait3A_86] : memref<4194304xi32, #tpu.memory_space<hbm>> -> memref<8192xi32, #tpu.memory_space<hbm>>
      tpu.wait_dma2 semaphore(%arg11 : memref<!tpu.dma_semaphore, #tpu.memory_space<semaphore_mem>>) src(%dma_wait3A_87 : memref<8192xi32, #tpu.memory_space<hbm>>) dst(%arg7 : memref<8192xi32, #tpu.memory_space<vmem>>)
      %parallel_loop3A_88 = arith.constant 0 : i32
      %parallel_loop3A_89 = arith.constant 512 : i32
      %parallel_loop3A_90 = arith.constant 1 : i32
      scf.for %parallel_loop3A_133 = %parallel_loop3A_88 to %parallel_loop3A_89 step %parallel_loop3A_90  : i32 {
        %parallel_loop3A_134 = arith.constant 16 : i32
        %parallel_loop3A_135 = arith.muli %parallel_loop3A_133, %parallel_loop3A_134 : i32
        %parallel_loop3A_136 = arith.index_cast %parallel_loop3A_135 : i32 to index
        %parallel_loop3A_137 = tpu.vector_load %arg7[%parallel_loop3A_136] {strides = array<i32>} : memref<8192xi32, #tpu.memory_space<vmem>>, vector<16xi32>,
        %parallel_loop3A_138 = tpu.vector_load_idx %arg5[%parallel_loop3A_137] : memref<4096xf32, #tpu.memory_space<vmem>>[vector<16xi32>], vector<16xf32>,
        %parallel_loop3A_139 = arith.index_cast %parallel_loop3A_135 : i32 to index
        %parallel_loop3A_140 = tpu.vector_load %arg9[%parallel_loop3A_139] {strides = array<i32>} : memref<32768xf32, #tpu.memory_space<vmem>>, vector<16xf32>,
        tpu.vector_store %arg9[%parallel_loop3A_139], %parallel_loop3A_138 {strides = array<i32>} : memref<32768xf32, #tpu.memory_space<vmem>>, vector<16xf32>,
        %parallel_loop3A_141 = arith.constant 1024 : i32
        %parallel_loop3A_142 = vector.broadcast %parallel_loop3A_141 : i32 to vector<16xi32>
        %parallel_loop3A_143 = arith.addi %parallel_loop3A_137, %parallel_loop3A_142 : vector<16xi32>
        %parallel_loop3A_144 = tpu.vector_load_idx %arg5[%parallel_loop3A_143] : memref<4096xf32, #tpu.memory_space<vmem>>[vector<16xi32>], vector<16xf32>,
        %parallel_loop3A_145 = arith.constant 8192 : i32
        %parallel_loop3A_146 = arith.addi %parallel_loop3A_135, %parallel_loop3A_145 : i32
        %parallel_loop3A_147 = arith.index_cast %parallel_loop3A_146 : i32 to index
        %parallel_loop3A_148 = tpu.vector_load %arg9[%parallel_loop3A_147] {strides = array<i32>} : memref<32768xf32, #tpu.memory_space<vmem>>, vector<16xf32>,
        tpu.vector_store %arg9[%parallel_loop3A_147], %parallel_loop3A_144 {strides = array<i32>} : memref<32768xf32, #tpu.memory_space<vmem>>, vector<16xf32>,
        %parallel_loop3A_149 = arith.constant 2048 : i32
        %parallel_loop3A_150 = vector.broadcast %parallel_loop3A_149 : i32 to vector<16xi32>
        %parallel_loop3A_151 = arith.addi %parallel_loop3A_137, %parallel_loop3A_150 : vector<16xi32>
        %parallel_loop3A_152 = tpu.vector_load_idx %arg5[%parallel_loop3A_151] : memref<4096xf32, #tpu.memory_space<vmem>>[vector<16xi32>], vector<16xf32>,
        %parallel_loop3A_153 = arith.constant 16384 : i32
        %parallel_loop3A_154 = arith.addi %parallel_loop3A_135, %parallel_loop3A_153 : i32
        %parallel_loop3A_155 = arith.index_cast %parallel_loop3A_154 : i32 to index
        %parallel_loop3A_156 = tpu.vector_load %arg9[%parallel_loop3A_155] {strides = array<i32>} : memref<32768xf32, #tpu.memory_space<vmem>>, vector<16xf32>,
        tpu.vector_store %arg9[%parallel_loop3A_155], %parallel_loop3A_152 {strides = array<i32>} : memref<32768xf32, #tpu.memory_space<vmem>>, vector<16xf32>,
        %parallel_loop3A_157 = arith.constant 3072 : i32
        %parallel_loop3A_158 = vector.broadcast %parallel_loop3A_157 : i32 to vector<16xi32>
        %parallel_loop3A_159 = arith.addi %parallel_loop3A_137, %parallel_loop3A_158 : vector<16xi32>
        %parallel_loop3A_160 = tpu.vector_load_idx %arg5[%parallel_loop3A_159] : memref<4096xf32, #tpu.memory_space<vmem>>[vector<16xi32>], vector<16xf32>,
        %parallel_loop3A_161 = arith.constant 24576 : i32
        %parallel_loop3A_162 = arith.addi %parallel_loop3A_135, %parallel_loop3A_161 : i32
        %parallel_loop3A_163 = arith.index_cast %parallel_loop3A_162 : i32 to index
        %parallel_loop3A_164 = tpu.vector_load %arg9[%parallel_loop3A_163] {strides = array<i32>} : memref<32768xf32, #tpu.memory_space<vmem>>, vector<16xf32>,
        tpu.vector_store %arg9[%parallel_loop3A_163], %parallel_loop3A_160 {strides = array<i32>} : memref<32768xf32, #tpu.memory_space<vmem>>, vector<16xf32>,
      } {sc.loop_unroll_factor = 8 : i64, sc.parallel_access}
      %mul3A_91 = arith.constant 8192 : i32
      %mul3A_92 = arith.muli %add3A_78, %mul3A_91 : i32
      %add3A_93 = arith.addi %mul3A_2, %mul3A_92 : i32
      %add3A_94 = arith.constant 0 : i32
      %add3A_95 = arith.addi %add3A_94, %add3A_93 : i32
      %dma_start3A_96 = arith.constant 0 : i32
      %dma_start3A_97 = tpu.memref_slice %arg9[%dma_start3A_96] : memref<32768xf32, #tpu.memory_space<vmem>> -> memref<8192xf32, #tpu.memory_space<vmem>>
      %dma_start3A_98 = tpu.memref_slice %arg4[%add3A_95] : memref<16777216xf32, #tpu.memory_space<hbm>> -> memref<8192xf32, #tpu.memory_space<hbm>>
      %dma_start3A_99 = tpu.memref_slice %arg4[%add3A_95] : memref<16777216xf32, #tpu.memory_space<hbm>> -> memref<8192xf32, #tpu.memory_space<hbm>>
      %dma_start3A_100 = arith.constant 0 : i32
      %dma_start3A_101 = tpu.memref_slice %arg9[%dma_start3A_100] : memref<32768xf32, #tpu.memory_space<vmem>> -> memref<8192xf32, #tpu.memory_space<vmem>>
      tpu.enqueue_dma source(%dma_start3A_101 : memref<8192xf32, #tpu.memory_space<vmem>>) target(%dma_start3A_99 : memref<8192xf32, #tpu.memory_space<hbm>>) target_semaphore(%arg13 : memref<!tpu.dma_semaphore, #tpu.memory_space<semaphore_mem>>)
      %add3A_102 = arith.constant 4194304 : i32
      %add3A_103 = arith.addi %add3A_102, %add3A_93 : i32
      %dma_start3A_104 = arith.constant 8192 : i32
      %dma_start3A_105 = tpu.memref_slice %arg9[%dma_start3A_104] : memref<32768xf32, #tpu.memory_space<vmem>> -> memref<8192xf32, #tpu.memory_space<vmem>>
      %dma_start3A_106 = tpu.memref_slice %arg4[%add3A_103] : memref<16777216xf32, #tpu.memory_space<hbm>> -> memref<8192xf32, #tpu.memory_space<hbm>>
      %dma_start3A_107 = tpu.memref_slice %arg4[%add3A_103] : memref<16777216xf32, #tpu.memory_space<hbm>> -> memref<8192xf32, #tpu.memory_space<hbm>>
      %dma_start3A_108 = arith.constant 8192 : i32
      %dma_start3A_109 = tpu.memref_slice %arg9[%dma_start3A_108] : memref<32768xf32, #tpu.memory_space<vmem>> -> memref<8192xf32, #tpu.memory_space<vmem>>
      tpu.enqueue_dma source(%dma_start3A_109 : memref<8192xf32, #tpu.memory_space<vmem>>) target(%dma_start3A_107 : memref<8192xf32, #tpu.memory_space<hbm>>) target_semaphore(%arg13 : memref<!tpu.dma_semaphore, #tpu.memory_space<semaphore_mem>>)
      %add3A_110 = arith.constant 8388608 : i32
      %add3A_111 = arith.addi %add3A_110, %add3A_93 : i32
      %dma_start3A_112 = arith.constant 16384 : i32
      %dma_start3A_113 = tpu.memref_slice %arg9[%dma_start3A_112] : memref<32768xf32, #tpu.memory_space<vmem>> -> memref<8192xf32, #tpu.memory_space<vmem>>
      %dma_start3A_114 = tpu.memref_slice %arg4[%add3A_111] : memref<16777216xf32, #tpu.memory_space<hbm>> -> memref<8192xf32, #tpu.memory_space<hbm>>
      %dma_start3A_115 = tpu.memref_slice %arg4[%add3A_111] : memref<16777216xf32, #tpu.memory_space<hbm>> -> memref<8192xf32, #tpu.memory_space<hbm>>
      %dma_start3A_116 = arith.constant 16384 : i32
      %dma_start3A_117 = tpu.memref_slice %arg9[%dma_start3A_116] : memref<32768xf32, #tpu.memory_space<vmem>> -> memref<8192xf32, #tpu.memory_space<vmem>>
      tpu.enqueue_dma source(%dma_start3A_117 : memref<8192xf32, #tpu.memory_space<vmem>>) target(%dma_start3A_115 : memref<8192xf32, #tpu.memory_space<hbm>>) target_semaphore(%arg13 : memref<!tpu.dma_semaphore, #tpu.memory_space<semaphore_mem>>)
      %add3A_118 = arith.constant 12582912 : i32
      %add3A_119 = arith.addi %add3A_118, %add3A_93 : i32
      %dma_start3A_120 = arith.constant 24576 : i32
      %dma_start3A_121 = tpu.memref_slice %arg9[%dma_start3A_120] : memref<32768xf32, #tpu.memory_space<vmem>> -> memref<8192xf32, #tpu.memory_space<vmem>>
      %dma_start3A_122 = tpu.memref_slice %arg4[%add3A_119] : memref<16777216xf32, #tpu.memory_space<hbm>> -> memref<8192xf32, #tpu.memory_space<hbm>>
      %dma_start3A_123 = tpu.memref_slice %arg4[%add3A_119] : memref<16777216xf32, #tpu.memory_space<hbm>> -> memref<8192xf32, #tpu.memory_space<hbm>>
      %dma_start3A_124 = arith.constant 24576 : i32
      %dma_start3A_125 = tpu.memref_slice %arg9[%dma_start3A_124] : memref<32768xf32, #tpu.memory_space<vmem>> -> memref<8192xf32, #tpu.memory_space<vmem>>
      tpu.enqueue_dma source(%dma_start3A_125 : memref<8192xf32, #tpu.memory_space<vmem>>) target(%dma_start3A_123 : memref<8192xf32, #tpu.memory_space<hbm>>) target_semaphore(%arg13 : memref<!tpu.dma_semaphore, #tpu.memory_space<semaphore_mem>>)
      %add3A_126 = arith.constant 2 : i32
      %add3A_127 = arith.addi %add3A_78, %add3A_126 : i32
      %lt3A_128 = arith.constant 16 : i32
      %lt3A_129 = arith.cmpi slt, %add3A_127, %lt3A_128 : i32
      %convert_element_type3A_130 = arith.extui %lt3A_129 : i1 to i32
      %cond3A_131 = arith.constant 0 : i32
      %cond3A_132 = arith.cmpi ne, %convert_element_type3A_130, %cond3A_131 : i32
      scf.if %cond3A_132 {
        %add3A_133 = arith.constant 2 : i32
        %add3A_134 = arith.addi %add3A_78, %add3A_133 : i32
        %mul3A_135 = arith.constant 8192 : i32
        %mul3A_136 = arith.muli %add3A_134, %mul3A_135 : i32
        %add3A_137 = arith.addi %mul3A_2, %mul3A_136 : i32
        %dma_start3A_138 = tpu.memref_slice %arg2[%add3A_137] : memref<4194304xi32, #tpu.memory_space<hbm>> -> memref<8192xi32, #tpu.memory_space<hbm>>
        %dma_start3A_139 = tpu.memref_slice %arg2[%add3A_137] : memref<4194304xi32, #tpu.memory_space<hbm>> -> memref<8192xi32, #tpu.memory_space<hbm>>
        tpu.enqueue_dma source(%dma_start3A_139 : memref<8192xi32, #tpu.memory_space<hbm>>) target(%arg7 : memref<8192xi32, #tpu.memory_space<vmem>>) target_semaphore(%arg11 : memref<!tpu.dma_semaphore, #tpu.memory_space<semaphore_mem>>)
      } else {
      }
    }
    %scan3A_13 = arith.constant 8 : i32
    %dma_wait3A = arith.constant 0 : i32
    %dma_wait3A_14 = tpu.memref_slice %arg4[%dma_wait3A] : memref<16777216xf32, #tpu.memory_space<hbm>> -> memref<32768xf32, #tpu.memory_space<hbm>>
    %dma_wait3A_15 = arith.constant 0 : i32
    %dma_wait3A_16 = tpu.memref_slice %arg4[%dma_wait3A_15] : memref<16777216xf32, #tpu.memory_space<hbm>> -> memref<32768xf32, #tpu.memory_space<hbm>>
    tpu.wait_dma2 semaphore(%arg12 : memref<!tpu.dma_semaphore, #tpu.memory_space<semaphore_mem>>) src(%arg8 : memref<32768xf32, #tpu.memory_space<vmem>>) dst(%dma_wait3A_16 : memref<32768xf32, #tpu.memory_space<hbm>>)
    %dma_wait3A_17 = arith.constant 0 : i32
    %dma_wait3A_18 = tpu.memref_slice %arg4[%dma_wait3A_17] : memref<16777216xf32, #tpu.memory_space<hbm>> -> memref<32768xf32, #tpu.memory_space<hbm>>
    %dma_wait3A_19 = arith.constant 0 : i32
    %dma_wait3A_20 = tpu.memref_slice %arg4[%dma_wait3A_19] : memref<16777216xf32, #tpu.memory_space<hbm>> -> memref<32768xf32, #tpu.memory_space<hbm>>
    tpu.wait_dma2 semaphore(%arg13 : memref<!tpu.dma_semaphore, #tpu.memory_space<semaphore_mem>>) src(%arg9 : memref<32768xf32, #tpu.memory_space<vmem>>) dst(%dma_wait3A_20 : memref<32768xf32, #tpu.memory_space<hbm>>)
    return
  }
}

</mosaic_0001>

<sc_bundles>
// kernel: _sc_gather.3.cloned.1.call-start
scs
__scs_entry_jumppad:
0x0: {  	(pc) =	sbr.rel $0x88, $3  }
0x1: {  	(tag) =	ssettag $0x0;
	lr =	simm.s32 $0x1  }
0x2: {  	[smem:$0x3F9F] =	sst lr;
	_ =	strace $0xD0000000  }
0x3: {  	_ = 	snop  }
0x4: {  	_ = 	snop  }
0x5: {  	_ = 	snop  }
0x6: {  	_ = 	snop  }
0x7: {  	_ = 	snop  }
__scs_overlays_trampoline_lowered:
0x8: {  	[smem:$0x3FAE] =	sst s0  }
0x9: {  	[smem:$0x3FAF] =	sst s1  }
0xa: {  	[smem:$0x3FB0] =	sst s2  }
0xb: {  	[smem:$0x3FB1] =	sst s3  }
0xc: {  	[smem:$0x3FB2] =	sst s4  }
0xd: {  	[smem:$0x3FB3] =	sst s5  }
0xe: {  	[smem:$0x3FB4] =	sst s6  }
0xf: {  	[smem:$0x3FB5] =	sst s7  }
0x10: {  	[smem:$0x3FB6] =	sst s8  }
0x11: {  	[smem:$0x3FB7] =	sst s9;
	s0 =	simm.s32 @!p0 $0x0  }
0x12: {  	s1 =	sld [smem:$0x3F9D];
	s0 =	simm.s32 @p0 $0x1  }
0x13: {  	[smem:$0x3FB8] =	sst s0;
	s0 =	simm.s32 @!p1 $0x0  }
0x14: {  	s2 =	sld [smem:$0x3F9C];
	s0 =	simm.s32 @p1 $0x1  }
0x15: {  	[smem:$0x3FB9] =	sst s0;
	s0 =	simm.s32 @!p2 $0x0  }
0x16: {  	s3 =	sld [smem:$0x3FDB];
	s0 =	simm.s32 @p2 $0x1  }
0x17: {  	s4 =	simm.s32 $0x1BF5;
	[smem:$0x3FBB] =	sst s0  }
0x18: {  	s0 =	sld [smem:$0x3F9E];
	_ =	swait.ge [sflag:s4], $0x0  }
0x19: {  	s7 =	sld [smem:$0x3F9F]  }
0x1a: {  	s8 =	sadd.s32 $0xFFFFE003, lr  }
0x1b: {  	s9 =	sadd.s32 $0xFFFFFEF7, lr;
	s5 =	simm.s32 $0xFFFFFFFF;
	p2 =	slt.u32 s8, $0xFFFFF086  }
0x1c: {  	p1 =	slt.u32 s9, $0xF7A;
	s5 =	simm.s32 @!p2 $0x0  }
0x1d: {  	s5 =	simm.s32 @p1 $0x1;
	p0 =	seq.s32 s7, s2  }
0x1e: {  	s7 =	smul.u32 @!p0 $0xF7A, s2;
	p2 =	seq.s32 @!p0 s5, $0x0  }
0x1f: {  	s9 =	smul.u32 $0xF7A, s1;
	s8 =	simm.s32 @!p0 $0x1BF5;
	p2 =	por !p2, p0  }
0x20: {  	[sflag:s8] =	ssyncset.s32 @!p0 $0xFFFFF086;
	s6 =	sadd.s32 @!p0 s3, s7;
	s7 =	simm.s32 @!p0 $0x108  }
0x21: {  	s3 =	sadd.s32 s3, s9;
	s6 =	sadd.s32 @!p0 $0x88, s6;
	s7 =	simm.s32 @p2 $0x1082  }
0x22: {  	[simem:s7], [sflag:s8] =	dma.local @!p0 [hbm:s6], $0xF7A  }
0x23: {  	s9 =	sor.u32 $0xD0000000, s2;
	s6 =	simm.s32 $0x108;
	_ =	swait.ge @!p0 [sflag:s8], $0x0  }
0x24: {  	s3 =	sadd.s32 $0x88, s3;
	s6 =	simm.s32 @!p1 $0x1082;
	[sflag:s4] =	ssyncset.s32 $0xFFFFF086  }
0x25: {  	[simem:s6], [sflag:s4] =	dma.local [hbm:s3], $0xF7A  }
0x26: {  	[smem:$0x3F9F] =	sst s1;
	(tag) =	ssettag s2;
	_ =	strace s9  }
0x27: {  	s1 =	sld [smem:$0x3FAF]  }
0x28: {  	s2 =	sld [smem:$0x3FB0]  }
0x29: {  	s4 =	sld [smem:$0x3FB2]  }
0x2a: {  	p0 =	seq.s32 s5, $0x0;
	s5 =	sld [smem:$0x3FB3]  }
0x2b: {  	s6 =	sld [smem:$0x3FB4]  }
0x2c: {  	s7 =	sld [smem:$0x3FB5]  }
0x2d: {  	s3 =	simm.s32 $0x108;
	s8 =	sld [smem:$0x3FB6]  }
0x2e: {  	s3 =	simm.s32 @!p0 $0x1082;
	s9 =	sld [smem:$0x3FB7]  }
0x2f: {  	lr =	sadd.s32 s0, s3;
	s0 =	sld [smem:$0x3FAE]  }
0x30: {  	s3 =	sld [smem:$0x3FB1]  }
0x31: {  	[smem:$0x3FBA] =	sst s10  }
0x32: {  	s10 =	sld [smem:$0x3FB8];
	_ =	sdelay $0x3  }
0x33: {  	p0 =	seq.s32 s10, $0x1;
	s10 =	sld [smem:$0x3FBA];
	_ =	sdelay $0x3  }
0x34: {  	[smem:$0x3FBA] =	sst s10  }
0x35: {  	s10 =	sld [smem:$0x3FB9];
	_ =	sdelay $0x3  }
0x36: {  	p1 =	seq.s32 s10, $0x1;
	s10 =	sld [smem:$0x3FBA];
	_ =	sdelay $0x3  }
0x37: {  	[smem:$0x3FBA] =	sst s10  }
0x38: {  	s10 =	sld [smem:$0x3FBB]  }
0x39: {  	_ = 	snop;
	(pc) =	sbr.ind lr, $3  }
0x3a: {  	_ = 	snop  }
0x3b: {  	_ = 	snop  }
0x3c: {  	p2 =	seq.s32 s10, $0x1;
	s10 =	sld [smem:$0x3FBA]  }
0x3d: {  	_ =	shalt  }
0x3e: {  	_ =	shalt  }
0x3f: {  	_ =	shalt  }
0x40: {  	_ =	shalt  }
0x41: {  	_ =	shalt  }
0x42: {  	_ =	shalt  }
0x43: {  	_ =	shalt  }
0x44: {  	_ =	shalt  }
0x45: {  	_ =	shalt  }
0x46: {  	_ =	shalt  }
0x47: {  	_ =	shalt  }
0x48: {  	_ =	shalt  }
0x49: {  	_ =	shalt  }
0x4a: {  	_ =	shalt  }
0x4b: {  	_ =	shalt  }
0x4c: {  	_ =	shalt  }
0x4d: {  	_ =	shalt  }
0x4e: {  	_ =	shalt  }
0x4f: {  	_ =	shalt  }
0x50: {  	_ =	shalt  }
0x51: {  	_ =	shalt  }
0x52: {  	_ =	shalt  }
0x53: {  	_ =	shalt  }
0x54: {  	_ =	shalt  }
0x55: {  	_ =	shalt  }
0x56: {  	_ =	shalt  }
0x57: {  	_ =	shalt  }
0x58: {  	_ =	shalt  }
0x59: {  	_ =	shalt  }
0x5a: {  	_ =	shalt  }
0x5b: {  	_ =	shalt  }
0x5c: {  	_ =	shalt  }
0x5d: {  	_ =	shalt  }
0x5e: {  	_ =	shalt  }
0x5f: {  	_ =	shalt  }
0x60: {  	_ =	shalt  }
0x61: {  	_ =	shalt  }
0x62: {  	_ =	shalt  }
0x63: {  	_ =	shalt  }
0x64: {  	_ =	shalt  }
0x65: {  	_ =	shalt  }
0x66: {  	_ =	shalt  }
0x67: {  	_ =	shalt  }
0x68: {  	_ =	shalt  }
0x69: {  	_ =	shalt  }
0x6a: {  	_ =	shalt  }
0x6b: {  	_ =	shalt  }
0x6c: {  	_ =	shalt  }
0x6d: {  	_ =	shalt  }
0x6e: {  	_ =	shalt  }
0x6f: {  	_ =	shalt  }
0x70: {  	_ =	shalt  }
0x71: {  	_ =	shalt  }
0x72: {  	_ =	shalt  }
0x73: {  	_ =	shalt  }
0x74: {  	_ =	shalt  }
0x75: {  	_ =	shalt  }
0x76: {  	_ =	shalt  }
0x77: {  	_ =	shalt  }
0x78: {  	_ =	shalt  }
0x79: {  	_ =	shalt  }
0x7a: {  	_ =	shalt  }
0x7b: {  	_ =	shalt  }
0x7c: {  	_ =	shalt  }
0x7d: {  	_ =	shalt  }
0x7e: {  	_ =	shalt  }
0x7f: {  	_ =	shalt  }
0x80: {  	_ =	shalt  }
0x81: {  	_ =	shalt  }
0x82: {  	_ =	shalt  }
0x83: {  	_ =	shalt  }
0x84: {  	_ =	shalt  }
0x85: {  	_ =	shalt  }
0x86: {  	_ =	shalt  }
0x87: {  	_ =	shalt  }
.Lfunc_end0:
.L_simem_size_0:
called_computation_lowered:
.L_overlay_start_0:
0x88: {  	s2 =	sld [smem:$0x3FD9]  }
0x89: {  	s3 =	sld [smem:$0x3FFE];
	_ =	sdelay $0x1  }
0x8a: {  	s1 =	srdreg.scid  }
0x8b: {  	s0 =	sand.u32 $0x1, s1  }
0x8c: {  	s18 =	sshll.u32 s0, $0xA;
	s2 =	sadd.s32 s3, s2  }
0x8d: {  	s2 =	sadd.s32 s2, s18  }
0x8e: {  	[smem:$0x3FC6] =	sst s2  }
0x8f: {  	_ = 	snop  }
0x90: {  	s2 =	sld [smem:$0x3FC9]  }
0x91: {  	s19 =	sld [smem:$0x3FC8]  }
0x92: {  	s4 =	sld [smem:$0x3FD0];
	(tm) =	ssettm $0x1  }
0x93: {  	s5 =	sld [smem:$0x3FFB];
	_ =	sdelay $0x3  }
0x94: {  	_ =	strace s5  }
0x95: {  	s5 =	sld [smem:$0x3FFC];
	_ =	sdelay $0x3  }
0x96: {  	_ =	strace s5  }
0x97: {  	s5 =	sld [smem:$0x3FFD];
	_ =	sdelay $0x3  }
0x98: {  	_ =	strace s5  }
0x99: {  	_ =	strace $0x8FFFFFFF  }
0x9a: {  	s20 =	sld [smem:$0x3FDB];
	_ =	sdelay $0x1  }
0x9b: {  	s6 =	simm.s32 $_scs_section_size  }
0x9c: {  	s7 =	simm.s32 $_size__tile_overlayer_lowered;
	s8 =	simm.s32 $_tile_overlayer_lowered  }
0x9d: {  	s23 =	simm.s32 $0x1BFF;
	s22 =	sshll.u32 s8, $0x1;
	s5 =	sadd.s32 s6, s20  }
0x9e: {  	s9 =	simm.s32 $0x0;
	s21 =	sshll.u32 s7, $0x1;
	s7 =	sadd.s32 s22, s5  }
0x9f: {  	[timem:s9], [sflag:s23] =	dma.local [hbm:s7], s21  }
0xa0: {  	_ =	swait.ge [sflag:s23], s21  }
0xa1: {  	s6 =	ssub.s32 $0x0, s21;
	[sflag:s23] =	ssyncset.done $0x0  }
0xa2: {  	[sflag:s23] =	ssyncadd.s32 s6;
	_ =	sdelay $0x1  }
0xa3: {  	s24 =	simm.s32 $0x1B8B  }
0xa4: {  	_ =	swait.ge [sflag:s24], $0x1  }
0xa5: {  	[sflag:s24] =	ssyncset.done $0x0  }
0xa6: {  	s25 =	simm.s32 $0x1B8E;
	[sflag:s24] =	ssyncadd.s32 $0xFFFFFFFF  }
0xa7: {  	s26 =	simm.s32 $execute0_lowered;
	[smem:$0x3FD2] =	sst s25  }
0xa8: {  	s6 =	sshll.u32 s26, $0x1;
	_ =	strace $0x80000046;
	[dreg:$0x1] =	wrdreg $0xFFFFFFFF  }
0xa9: {  	s28 =	simm.s32 $_size_execute0_lowered;
	s5 =	sadd.s32 s5, s6;
	[dreg:$0x0] =	wrdreg $0x0  }
0xaa: {  	s6 =	sshll.u32 s28, $0x1;
	[dreg:$0x2] =	wrdreg s5  }
0xab: {  	[dreg:$0x3] =	wrdreg s6  }
0xac: {  	[dreg:$0x4] =	wrdreg $0xC0  }
0xad: {  	_ =	task [dreg:s9], $0x5FFFF  }
0xae: {  	[dreg:$0x1] =	wrdreg $0xFFFFFFFF  }
0xaf: {  	[dreg:$0x0] =	wrdreg $0x60  }
0xb0: {  	[dreg:$0x2] =	wrdreg s2  }
0xb1: {  	[dreg:$0x3] =	wrdreg s19  }
0xb2: {  	[dreg:$0x4] =	wrdreg s4  }
0xb3: {  	[dreg:$0x5] =	wrdreg $0x9  }
0xb4: {  	_ =	task.clear_ibuf [dreg:s9], $0x6FFFF;
	_ =	strace $0x90000046  }
0xb5: {  	s29 =	simm.s32 $0x9;
	_ =	strace $0x80000048  }
0xb6: {  	_ =	swait.ge [sflag:s29], $0x1  }
0xb7: {  	[sflag:s29] =	ssyncadd.s32 $0xFFFFFFFF  }
0xb8: {  	_ =	strace $0x90000048  }
0xb9: {  	_ =	sfence  }
0xba: {  	s30 =	sld [smem:$0x0];
	_ =	sdelay $0x2  }
0xbb: {  	s31 =	sshll.u32 s1, $0xD;
	s1 =	sshrl.u32 s1, $0x2  }
0xbc: {  	s3 =	sand.u32 $0x4000, s31;
	s1 =	sadd.s32 s1, s30  }
0xbd: {  	s0 =	sor.u32 s3, s0;
	s1 =	sshll.u32 s1, $0x11  }
0xbe: {  	s0 =	sor.u32 s1, s0  }
0xbf: {  	s0 =	sadd.s32 $0x8F2B, s0  }
0xc0: {  	[sflag:s0] =	ssyncadd.remote.s32 $0x1  }
0xc1: {  	_ =	sfence.sel $0xFFFF  }
0xc2: {  	[dreg:$0x0] =	wrdreg $0xFFFFFFFF;
	(pc) =	sbr.abs _section_cstart, $3  }
0xc3: {  	[dreg:$0x1] =	wrdreg $0xFFFFFFFF  }
0xc4: {  	_ =	task.clear_ibuf [dreg:s9], $0x2FFFF;
	_ =	strace $0x9FFFFFFF  }
0xc5: {  	(tm) =	ssettm $0x7FFFFFFF  }
tec
execute0_lowered:
.L_overlay_start_1:
0x0: {  	(tag) =	ssettag $0x1  }
0x1: {  	s1 =	rddreg [dreg:$0x0]  }
0x2: {  	s0 =	srdreg.scid;
	s2 =	stileid.u32  }
0x3: {  	s4 =	rddreg [dreg:$0x2];
	s5 =	simm.s32 $0x0;
	s15 =	simm.s32 $0x5  }
0x4: {  	s17 =	simm.s32 $0x3000;
	s18 =	simm.s32 $0x1;
	s19 =	simm.s32 $0x5000  }
0x5: {  	s20 =	simm.s32 $0x7000;
	s21 =	simm.s32 $0x9000;
	s22 =	simm.s32 $0xB000  }
0x6: {  	s23 =	simm.s32 $0x2;
	s24 =	simm.s32 $0xD000;
	s25 =	simm.s32 $0xF000  }
0x7: {  	s28 =	simm.s32 $0x13000;
	s29 =	simm.s32 $0x3;
	s30 =	simm.s32 $0x4  }
0x8: {  	s31 =	simm.s32 $0x0;
	s0 =	sand.u32 $0x1, s0;
	s2 =	sshll.u32 s2, $0x12  }
0x9: {  	[smem:$0x7FF] =	sst s5;
	s9 =	sadd.s32 $0x80000, s4;
	s3 =	sshll.u32 s0, $0x11  }
0xa: {  	s10 =	sadd.s32 $0x100000, s4;
	s0 =	ssub.s32 $0x2, s0;
	s6 =	sor.u32 s3, s2  }
.Ltmp0:
0xb: {  	s26 =	sshrl.u32 s0, $0x1;
	s2 =	sshrl.u32 s6, $0x3;
	(pc) =	sbr.rel .LBB2_1-.Ltmp0, $4  }
0xc: {  	s11 =	sadd.s32 $0x180000, s4;
	s0 =	ssub.s32 s0, s26;
	s2 =	sadd.s32 s1, s2  }
0xd: {  	_ =	strace $0x80000047;
	s0 =	smax.u32 s0, $0x1;
	[dreg:$0x4] =	wrdreg s2  }
0xe: {  	s12 =	sor.u32 $0x4000, s6;
	s2 =	sadd.s32 $0x400, s2;
	[dreg:$0x6] =	wrdreg s0  }
0xf: {  	s13 =	sor.u32 $0x6000, s6;
	s26 =	simm.s32 $0x11000;
	[dreg:$0x5] =	wrdreg s2  }
.LBB2_8:
0x10: {  	_ =	swait.ge [sflag:s29], $0x8000  }
0x11: {  	[sflag:s29] =	ssyncset.done $0x0  }
0x12: {  	[sflag:s29] =	ssyncadd.s32 $0xFFFF8000  }
0x13: {  	_ =	swait.ge [sflag:s30], $0x8000  }
0x14: {  	s31 =	sadd.s32 $0x1, s31;
	s0 =	rddreg [dreg:$0x6]  }
0x15: {  	p0 =	sne.s32 s31, s0  }
.Ltmp1:
0x16: {  	_ = 	snop;
	(pc) =	sbr.rel @!p0 .LBB2_9-.Ltmp1, $3  }
0x17: {  	_ =	sdelay $0x1  }
0x18: {  	[sflag:s30] =	ssyncset.done $0x0  }
0x19: {  	[sflag:s30] =	ssyncadd.s32 $0xFFFF8000  }
.LBB2_1:
0x1a: {  	s0 =	rddreg [dreg:$0x1]  }
0x1b: {  	[tilespmem:s5], [sflag:$0x5] =	stream.linear.gather [hbm4b:s0+s5], $0x1000, $0x38;
	[tilespmem:$0x15000] =	vst v63  }
0x1c: {  	_ =	swait.ge [sflag:s15], $0x1000  }
0x1d: {  	[sflag:s15] =	ssyncset.done $0x0  }
0x1e: {  	s2 =	simm.s32 $0x1000;
	s14 =	rddreg [dreg:$0x4];
	[sflag:s15] =	ssyncadd.s32 $0xFFFFF000  }
0x1f: {  	[tilespmem:s2], [sflag:$0x1] =	stream.linear.gather [hbm4b:s14+s5], $0x2000, $0x38;
	[tilespmem:$0x15000] =	vst v63  }
0x20: {  	s16 =	rddreg [dreg:$0x5];
	s2 =	simm.s32 $0x0  }
0x21: {  	[tilespmem:s17], [sflag:$0x2] =	stream.linear.gather [hbm4b:s16+s5], $0x2000, $0x38;
	[tilespmem:$0x15000] =	vst v63  }
.LBB2_2:
0x22: {  	p0 =	seq.s32 s2, $0x0  }
0x23: {  	s0 =	simm.s32 @!p0 $0x3  }
0x24: {  	_ =	swait.ge @!p0 [sflag:s0], $0x8000  }
0x25: {  	[sflag:s0] =	ssyncset.done @!p0 $0x0  }
0x26: {  	[sflag:s0] =	ssyncadd.s32 @!p0 $0xFFFF8000  }
0x27: {  	_ =	swait.ge [sflag:s18], $0x2000  }
0x28: {  	[sflag:s18] =	ssyncset.done $0x0  }
0x29: {  	s16 =	simm.s32 $0x0;
	[sflag:s18] =	ssyncadd.s32 $0xFFFFE000  }
0x2a: {  	v0 =	vld [tilespmem:s16+$0x1070]  }
0x2b: {  	v1 =	vld [tilespmem:s16+$0x1000]  }
0x2c: {  	v2 =	vld [tilespmem:s16+$0x1010]  }
0x2d: {  	v3 =	vld [tilespmem:s16+$0x1020]  }
0x2e: {  	v4 =	vld [tilespmem:s16+$0x1030]  }
0x2f: {  	v5 =	vld [tilespmem:s16+$0x1040]  }
0x30: {  	v6 =	vld [tilespmem:s16+$0x1050]  }
0x31: {  	v7 =	vld [tilespmem:s16+$0x1060]  }
0x32: {  	v8 =	vld.idx.msk [tilespmem:v0+s5+$0x0], $0xffff  }
0x33: {  	v9 =	vld.idx.msk [tilespmem:v1+s5+$0x0], $0xffff  }
0x34: {  	v10 =	vld.idx.msk [tilespmem:v2+s5+$0x0], $0xffff  }
0x35: {  	v11 =	vadd.s32 $0x400, v0;
	v12 =	vld.idx.msk [tilespmem:v3+s5+$0x0], $0xffff  }
0x36: {  	v13 =	vadd.s32 $0x400, v1;
	v14 =	vld.idx.msk [tilespmem:v4+s5+$0x0], $0xffff  }
0x37: {  	v15 =	vadd.s32 $0x400, v2;
	v16 =	vld.idx.msk [tilespmem:v5+s5+$0x0], $0xffff  }
0x38: {  	v17 =	vadd.s32 $0x400, v3;
	v18 =	vld.idx.msk [tilespmem:v6+s5+$0x0], $0xffff;
	[tilespmem:s16+$0x5070] =	vst v8  }
0x39: {  	v49 =	vadd.s32 $0x400, v5;
	v50 =	vld.idx.msk [tilespmem:v7+s5+$0x0], $0xffff;
	[tilespmem:s16+$0x5000] =	vst v9  }
0x3a: {  	v19 =	vadd.s32 $0x400, v6;
	[tilespmem:s16+$0x5010] =	vst v10;
	v48 =	vld.idx.msk [tilespmem:v11+s5+$0x0], $0xffff  }
0x3b: {  	v8 =	vadd.s32 $0x400, v4;
	[tilespmem:s16+$0x5020] =	vst v12;
	v13 =	vld.idx.msk [tilespmem:v13+s5+$0x0], $0xffff  }
0x3c: {  	v51 =	vadd.s32 $0x800, v0;
	[tilespmem:s16+$0x5030] =	vst v14;
	v15 =	vld.idx.msk [tilespmem:v15+s5+$0x0], $0xffff  }
0x3d: {  	v52 =	vadd.s32 $0x400, v7;
	[tilespmem:s16+$0x5040] =	vst v16;
	v17 =	vld.idx.msk [tilespmem:v17+s5+$0x0], $0xffff  }
0x3e: {  	v53 =	vadd.s32 $0x800, v1;
	[tilespmem:s16+$0x5050] =	vst v18;
	v11 =	vld.idx.msk [tilespmem:v49+s5+$0x0], $0xffff  }
0x3f: {  	v54 =	vadd.s32 $0x800, v2;
	[tilespmem:s16+$0x5060] =	vst v50;
	v58 =	vld.idx.msk [tilespmem:v19+s5+$0x0], $0xffff  }
0x40: {  	v55 =	vadd.s32 $0x800, v3;
	v8 =	vld.idx.msk [tilespmem:v8+s5+$0x0], $0xffff;
	[tilespmem:s16+$0x7070] =	vst v48  }
0x41: {  	v59 =	vadd.s32 $0x800, v5;
	[tilespmem:s16+$0x7000] =	vst v13;
	v56 =	vld.idx.msk [tilespmem:v51+s5+$0x0], $0xffff  }
0x42: {  	v0 =	vadd.s32 $0xC00, v0;
	v14 =	vld.idx.msk [tilespmem:v52+s5+$0x0], $0xffff;
	[tilespmem:s16+$0x7010] =	vst v15  }
0x43: {  	v60 =	vadd.s32 $0x800, v6;
	[tilespmem:s16+$0x7020] =	vst v17;
	v16 =	vld.idx.msk [tilespmem:v53+s5+$0x0], $0xffff  }
0x44: {  	v57 =	vadd.s32 $0x800, v4;
	[tilespmem:s16+$0x7040] =	vst v11;
	v18 =	vld.idx.msk [tilespmem:v54+s5+$0x0], $0xffff  }
0x45: {  	v1 =	vadd.s32 $0xC00, v1;
	v9 =	vld.idx.msk [tilespmem:v55+s5+$0x0], $0xffff;
	[tilespmem:s16+$0x7030] =	vst v8  }
0x46: {  	v63 =	vld.idx.msk [tilespmem:v59+s5+$0x0], $0xffff;
	v8 =	vadd.s32 $0x800, v7;
	[tilespmem:s16+$0x9070] =	vst v56  }
0x47: {  	v2 =	vadd.s32 $0xC00, v2;
	[tilespmem:s16+$0x7050] =	vst v58;
	v0 =	vld.idx.msk [tilespmem:v0+s5+$0x0], $0xffff  }
0x48: {  	v62 =	vadd.s32 $0xC00, v3;
	[tilespmem:s16+$0x7060] =	vst v14;
	v13 =	vld.idx.msk [tilespmem:v60+s5+$0x0], $0xffff  }
0x49: {  	v5 =	vadd.s32 $0xC00, v5;
	v61 =	vld.idx.msk [tilespmem:v57+s5+$0x0], $0xffff;
	[tilespmem:s16+$0x9000] =	vst v16  }
0x4a: {  	v4 =	vadd.s32 $0xC00, v4;
	[tilespmem:s16+$0x9010] =	vst v18;
	v3 =	vld.idx.msk [tilespmem:v1+s5+$0x0], $0xffff  }
0x4b: {  	v6 =	vadd.s32 $0xC00, v6;
	[tilespmem:s16+$0x9020] =	vst v9;
	v8 =	vld.idx.msk [tilespmem:v8+s5+$0x0], $0xffff  }
0x4c: {  	v1 =	vld.idx.msk [tilespmem:v2+s5+$0x0], $0xffff;
	[tilespmem:s16+$0xB070] =	vst v0;
	v0 =	vadd.s32 $0xC00, v7  }
0x4d: {  	[tilespmem:s16+$0x9040] =	vst v63;
	v2 =	vld.idx.msk [tilespmem:v62+s5+$0x0], $0xffff  }
0x4e: {  	v5 =	vld.idx.msk [tilespmem:v5+s5+$0x0], $0xffff;
	[tilespmem:s16+$0x9030] =	vst v61  }
0x4f: {  	[tilespmem:s16+$0x9050] =	vst v13;
	v4 =	vld.idx.msk [tilespmem:v4+s5+$0x0], $0xffff  }
0x50: {  	s3 =	simm.s32 $0x0;
	s8 =	simm.s32 $0x200;
	s0 =	sshll.u32 s2, $0xE;
	v6 =	vld.idx.msk [tilespmem:v6+s5+$0x0], $0xffff;
	[tilespmem:s16+$0x9060] =	vst v8  }
.LBB2_3:
0x51: {  	s14 =	sshra.s32 s8, $0x2;
	s3 =	sadd.s32 $0x8, s3;
	[tilespmem:s16+$0xB000] =	vst v3;
	v0 =	vld.idx.msk [tilespmem:v0+s5+$0x0], $0xffff  }
0x52: {  	v3 =	vld [tilespmem:s14+$0x1070];
	p0 =	slt.u32 s3, $0x1F8;
	[tilespmem:s16+$0xB010] =	vst v1  }
0x53: {  	v1 =	vld [tilespmem:s14+$0x1000];
	[tilespmem:s16+$0xB020] =	vst v2  }
0x54: {  	v2 =	vld [tilespmem:s14+$0x1010];
	[tilespmem:s16+$0xB030] =	vst v4  }
0x55: {  	v4 =	vld [tilespmem:s14+$0x1020];
	[tilespmem:s16+$0xB040] =	vst v5  }
0x56: {  	v5 =	vld [tilespmem:s14+$0x1030];
	[tilespmem:s16+$0xB050] =	vst v6  }
0x57: {  	v6 =	vld [tilespmem:s14+$0x1040];
	[tilespmem:s16+$0xB060] =	vst v0;
	s16 =	smov.u32 s14  }
0x58: {  	v7 =	vadd.s32 $0x400, v1;
	v8 =	vadd.s32 $0x800, v1;
	v9 =	vadd.s32 $0xC00, v1;
	v10 =	vld [tilespmem:s16+$0x1050]  }
0x59: {  	v11 =	vadd.s32 $0x400, v2;
	v12 =	vadd.s32 $0x800, v2;
	v13 =	vadd.s32 $0xC00, v2;
	v14 =	vld [tilespmem:s16+$0x1060]  }
0x5a: {  	v15 =	vadd.s32 $0x400, v4;
	v16 =	vadd.s32 $0x800, v4;
	v17 =	vadd.s32 $0xC00, v4;
	v18 =	vld.idx.msk [tilespmem:v3+s5+$0x0], $0xffff  }
0x5b: {  	v1 =	vld.idx.msk [tilespmem:v1+s5+$0x0], $0xffff;
	v19 =	vadd.s32 $0x400, v5;
	v20 =	vadd.s32 $0x800, v5;
	v21 =	vadd.s32 $0xC00, v5  }
0x5c: {  	v24 =	vadd.s32 $0x400, v3;
	v2 =	vld.idx.msk [tilespmem:v2+s5+$0x0], $0xffff;
	v22 =	vadd.s32 $0x400, v6;
	v23 =	vadd.s32 $0x800, v6  }
0x5d: {  	v25 =	vadd.s32 $0xC00, v6;
	v4 =	vld.idx.msk [tilespmem:v4+s5+$0x0], $0xffff;
	v26 =	vadd.s32 $0x400, v10;
	v27 =	vadd.s32 $0x800, v10  }
0x5e: {  	v28 =	vadd.s32 $0xC00, v10;
	v5 =	vld.idx.msk [tilespmem:v5+s5+$0x0], $0xffff;
	v29 =	vadd.s32 $0x400, v14;
	v30 =	vadd.s32 $0x800, v14  }
0x5f: {  	v0 =	vadd.s32 $0xC00, v14;
	v6 =	vld.idx.msk [tilespmem:v6+s5+$0x0], $0xffff  }
0x60: {  	v10 =	vld.idx.msk [tilespmem:v10+s5+$0x0], $0xffff;
	[tilespmem:s16+$0x5070] =	vst v18  }
0x61: {  	[tilespmem:s16+$0x5000] =	vst v1;
	v1 =	vld.idx.msk [tilespmem:v24+s5+$0x0], $0xffff  }
0x62: {  	[tilespmem:s16+$0x5010] =	vst v2;
	v2 =	vld.idx.msk [tilespmem:v14+s5+$0x0], $0xffff  }
0x63: {  	v7 =	vld.idx.msk [tilespmem:v7+s5+$0x0], $0xffff;
	[tilespmem:s16+$0x5020] =	vst v4;
	v4 =	vadd.s32 $0x800, v3  }
0x64: {  	v11 =	vld.idx.msk [tilespmem:v11+s5+$0x0], $0xffff;
	[tilespmem:s16+$0x5030] =	vst v5  }
0x65: {  	v5 =	vld.idx.msk [tilespmem:v15+s5+$0x0], $0xffff;
	[tilespmem:s16+$0x5040] =	vst v6  }
0x66: {  	v6 =	vld.idx.msk [tilespmem:v19+s5+$0x0], $0xffff;
	[tilespmem:s16+$0x5050] =	vst v10  }
0x67: {  	v10 =	vld.idx.msk [tilespmem:v22+s5+$0x0], $0xffff;
	[tilespmem:s16+$0x7070] =	vst v1  }
0x68: {  	[tilespmem:s16+$0x5060] =	vst v2;
	v1 =	vld.idx.msk [tilespmem:v4+s5+$0x0], $0xffff  }
0x69: {  	[tilespmem:s16+$0x7000] =	vst v7;
	v2 =	vld.idx.msk [tilespmem:v26+s5+$0x0], $0xffff  }
0x6a: {  	v3 =	vadd.s32 $0xC00, v3;
	[tilespmem:s16+$0x7010] =	vst v11;
	v4 =	vld.idx.msk [tilespmem:v29+s5+$0x0], $0xffff  }
0x6b: {  	v7 =	vld.idx.msk [tilespmem:v8+s5+$0x0], $0xffff;
	[tilespmem:s16+$0x7020] =	vst v5  }
0x6c: {  	v5 =	vld.idx.msk [tilespmem:v12+s5+$0x0], $0xffff;
	[tilespmem:s16+$0x7030] =	vst v6  }
0x6d: {  	v6 =	vld.idx.msk [tilespmem:v16+s5+$0x0], $0xffff;
	[tilespmem:s16+$0x7040] =	vst v10  }
0x6e: {  	v8 =	vld.idx.msk [tilespmem:v20+s5+$0x0], $0xffff;
	[tilespmem:s16+$0x9070] =	vst v1  }
0x6f: {  	[tilespmem:s16+$0x7050] =	vst v2;
	v10 =	vld.idx.msk [tilespmem:v3+s5+$0x0], $0xffff  }
0x70: {  	v11 =	vld.idx.msk [tilespmem:v23+s5+$0x0], $0xffff;
	[tilespmem:s16+$0x7060] =	vst v4  }
0x71: {  	[tilespmem:s16+$0x9000] =	vst v7;
	v7 =	vld.idx.msk [tilespmem:v27+s5+$0x0], $0xffff  }
0x72: {  	[tilespmem:s16+$0x9010] =	vst v5;
	v12 =	vld.idx.msk [tilespmem:v30+s5+$0x0], $0xffff  }
0x73: {  	v3 =	vld.idx.msk [tilespmem:v9+s5+$0x0], $0xffff;
	[tilespmem:s16+$0x9020] =	vst v6  }
.Ltmp2:
0x74: {  	v1 =	vld.idx.msk [tilespmem:v13+s5+$0x0], $0xffff;
	[tilespmem:s16+$0x9030] =	vst v8;
	(pc) =	sbr.rel @p0 .LBB2_3-.Ltmp2, $4  }
0x75: {  	v2 =	vld.idx.msk [tilespmem:v17+s5+$0x0], $0xffff;
	[tilespmem:s16+$0xB070] =	vst v10  }
0x76: {  	v4 =	vld.idx.msk [tilespmem:v21+s5+$0x0], $0xffff;
	[tilespmem:s16+$0x9040] =	vst v11  }
0x77: {  	v5 =	vld.idx.msk [tilespmem:v25+s5+$0x0], $0xffff;
	[tilespmem:s16+$0x9050] =	vst v7  }
0x78: {  	s8 =	sadd.s32 $0x200, s8;
	v6 =	vld.idx.msk [tilespmem:v28+s5+$0x0], $0xffff;
	[tilespmem:s16+$0x9060] =	vst v12  }
0x79: {  	_ =	sdelay $0x2  }
0x7a: {  	[tilespmem:s16+$0xB000] =	vst v3  }
0x7b: {  	v0 =	vld.idx.msk [tilespmem:v0+s5+$0x0], $0xffff;
	[tilespmem:s16+$0xB010] =	vst v1  }
0x7c: {  	[tilespmem:s16+$0xB020] =	vst v2  }
0x7d: {  	[tilespmem:s16+$0xB030] =	vst v4  }
0x7e: {  	s3 =	sor.u32 s6, s0;
	[tilespmem:s16+$0xB040] =	vst v5  }
0x7f: {  	s3 =	sshrl.u32 s3, $0x3;
	[tilespmem:s16+$0xB050] =	vst v6  }
0x80: {  	s8 =	sadd.s32 s4, s3;
	[tilespmem:s16+$0xB060] =	vst v0  }
0x81: {  	[hbm4b:s8+s5] =	stream.linear.scatter [tilespmem:s19], [sflag:$0x3], $0x2000, $0x38;
	[tilespmem:$0x15000] =	vst v63  }
0x82: {  	p0 =	seq.s32 s2, $0x7;
	s7 =	sadd.s32 s3, s9  }
0x83: {  	[hbm4b:s7+s5] =	stream.linear.scatter [tilespmem:s20], [sflag:$0x3], $0x2000, $0x38;
	[tilespmem:$0x15000] =	vst v63  }
0x84: {  	p1 =	seq.s32 @!p0 s2, $0x0;
	s14 =	sadd.s32 s3, s10;
	s8 =	sadd.s32 @!p0 s0, s12  }
0x85: {  	[hbm4b:s14+s5] =	stream.linear.scatter [tilespmem:s21], [sflag:$0x3], $0x2000, $0x38;
	[tilespmem:$0x15000] =	vst v63  }
0x86: {  	p1 =	por p0, !p1;
	s16 =	sadd.s32 s3, s11;
	s8 =	sshrl.u32 @!p0 s8, $0x3  }
0x87: {  	[hbm4b:s16+s5] =	stream.linear.scatter [tilespmem:s22], [sflag:$0x3], $0x2000, $0x38;
	[tilespmem:$0x15000] =	vst v63  }
0x88: {  	s8 =	sadd.s32 @!p0 s1, s8;
	s14 =	simm.s32 @!p0 $0x0;
	s16 =	simm.s32 @!p0 $0x1000  }
0x89: {  	[tilespmem:s16], [sflag:$0x1] =	stream.linear.gather @!p0 [hbm4b:s8+s14], $0x2000, $0x38;
	[tilespmem:$0x15000] =	vst v63  }
0x8a: {  	_ =	swait.ge @p1 [sflag:s30], $0x8000  }
0x8b: {  	[sflag:s30] =	ssyncset.done @p1 $0x0  }
0x8c: {  	[sflag:s30] =	ssyncadd.s32 @p1 $0xFFFF8000  }
0x8d: {  	_ =	swait.ge [sflag:s23], $0x2000  }
0x8e: {  	[sflag:s23] =	ssyncset.done $0x0  }
0x8f: {  	s16 =	simm.s32 $0x0;
	[sflag:s23] =	ssyncadd.s32 $0xFFFFE000  }
0x90: {  	v0 =	vld [tilespmem:s16+$0x3070]  }
0x91: {  	v1 =	vld [tilespmem:s16+$0x3000]  }
0x92: {  	v2 =	vld [tilespmem:s16+$0x3010]  }
0x93: {  	v3 =	vld [tilespmem:s16+$0x3020]  }
0x94: {  	v4 =	vld [tilespmem:s16+$0x3030]  }
0x95: {  	v5 =	vld [tilespmem:s16+$0x3040]  }
0x96: {  	v6 =	vld [tilespmem:s16+$0x3050]  }
0x97: {  	v7 =	vld [tilespmem:s16+$0x3060]  }
0x98: {  	v8 =	vld.idx.msk [tilespmem:v0+s5+$0x0], $0xffff  }
0x99: {  	v9 =	vld.idx.msk [tilespmem:v1+s5+$0x0], $0xffff  }
0x9a: {  	v10 =	vld.idx.msk [tilespmem:v2+s5+$0x0], $0xffff  }
0x9b: {  	v11 =	vadd.s32 $0x400, v0;
	v12 =	vld.idx.msk [tilespmem:v3+s5+$0x0], $0xffff  }
0x9c: {  	v13 =	vadd.s32 $0x400, v1;
	v14 =	vld.idx.msk [tilespmem:v4+s5+$0x0], $0xffff  }
0x9d: {  	v15 =	vadd.s32 $0x400, v2;
	v16 =	vld.idx.msk [tilespmem:v5+s5+$0x0], $0xffff  }
0x9e: {  	v17 =	vadd.s32 $0x400, v3;
	v18 =	vld.idx.msk [tilespmem:v6+s5+$0x0], $0xffff;
	[tilespmem:s16+$0xD070] =	vst v8  }
0x9f: {  	v49 =	vadd.s32 $0x400, v5;
	v50 =	vld.idx.msk [tilespmem:v7+s5+$0x0], $0xffff;
	[tilespmem:s16+$0xD000] =	vst v9  }
0xa0: {  	v19 =	vadd.s32 $0x400, v6;
	[tilespmem:s16+$0xD010] =	vst v10;
	v48 =	vld.idx.msk [tilespmem:v11+s5+$0x0], $0xffff  }
0xa1: {  	v8 =	vadd.s32 $0x400, v4;
	[tilespmem:s16+$0xD020] =	vst v12;
	v13 =	vld.idx.msk [tilespmem:v13+s5+$0x0], $0xffff  }
0xa2: {  	v51 =	vadd.s32 $0x800, v0;
	[tilespmem:s16+$0xD030] =	vst v14;
	v15 =	vld.idx.msk [tilespmem:v15+s5+$0x0], $0xffff  }
0xa3: {  	v52 =	vadd.s32 $0x400, v7;
	[tilespmem:s16+$0xD040] =	vst v16;
	v17 =	vld.idx.msk [tilespmem:v17+s5+$0x0], $0xffff  }
0xa4: {  	v53 =	vadd.s32 $0x800, v1;
	[tilespmem:s16+$0xD050] =	vst v18;
	v11 =	vld.idx.msk [tilespmem:v49+s5+$0x0], $0xffff  }
0xa5: {  	v54 =	vadd.s32 $0x800, v2;
	[tilespmem:s16+$0xD060] =	vst v50;
	v58 =	vld.idx.msk [tilespmem:v19+s5+$0x0], $0xffff  }
0xa6: {  	v55 =	vadd.s32 $0x800, v3;
	v8 =	vld.idx.msk [tilespmem:v8+s5+$0x0], $0xffff;
	[tilespmem:s16+$0xF070] =	vst v48  }
0xa7: {  	v59 =	vadd.s32 $0x800, v5;
	[tilespmem:s16+$0xF000] =	vst v13;
	v56 =	vld.idx.msk [tilespmem:v51+s5+$0x0], $0xffff  }
0xa8: {  	v0 =	vadd.s32 $0xC00, v0;
	v14 =	vld.idx.msk [tilespmem:v52+s5+$0x0], $0xffff;
	[tilespmem:s16+$0xF010] =	vst v15  }
0xa9: {  	v60 =	vadd.s32 $0x800, v6;
	[tilespmem:s16+$0xF020] =	vst v17;
	v16 =	vld.idx.msk [tilespmem:v53+s5+$0x0], $0xffff  }
0xaa: {  	v57 =	vadd.s32 $0x800, v4;
	[tilespmem:s16+$0xF040] =	vst v11;
	v18 =	vld.idx.msk [tilespmem:v54+s5+$0x0], $0xffff  }
0xab: {  	v1 =	vadd.s32 $0xC00, v1;
	v9 =	vld.idx.msk [tilespmem:v55+s5+$0x0], $0xffff;
	[tilespmem:s16+$0xF030] =	vst v8  }
0xac: {  	v63 =	vld.idx.msk [tilespmem:v59+s5+$0x0], $0xffff;
	v8 =	vadd.s32 $0x800, v7;
	[tilespmem:s16+$0x11070] =	vst v56  }
0xad: {  	v2 =	vadd.s32 $0xC00, v2;
	[tilespmem:s16+$0xF050] =	vst v58;
	v0 =	vld.idx.msk [tilespmem:v0+s5+$0x0], $0xffff  }
0xae: {  	v62 =	vadd.s32 $0xC00, v3;
	[tilespmem:s16+$0xF060] =	vst v14;
	v13 =	vld.idx.msk [tilespmem:v60+s5+$0x0], $0xffff  }
0xaf: {  	v5 =	vadd.s32 $0xC00, v5;
	v61 =	vld.idx.msk [tilespmem:v57+s5+$0x0], $0xffff;
	[tilespmem:s16+$0x11000] =	vst v16  }
0xb0: {  	v4 =	vadd.s32 $0xC00, v4;
	[tilespmem:s16+$0x11010] =	vst v18;
	v3 =	vld.idx.msk [tilespmem:v1+s5+$0x0], $0xffff  }
0xb1: {  	v6 =	vadd.s32 $0xC00, v6;
	[tilespmem:s16+$0x11020] =	vst v9;
	v8 =	vld.idx.msk [tilespmem:v8+s5+$0x0], $0xffff  }
0xb2: {  	v1 =	vld.idx.msk [tilespmem:v2+s5+$0x0], $0xffff;
	[tilespmem:s16+$0x13070] =	vst v0;
	v0 =	vadd.s32 $0xC00, v7  }
0xb3: {  	[tilespmem:s16+$0x11040] =	vst v63;
	v2 =	vld.idx.msk [tilespmem:v62+s5+$0x0], $0xffff  }
0xb4: {  	v5 =	vld.idx.msk [tilespmem:v5+s5+$0x0], $0xffff;
	[tilespmem:s16+$0x11030] =	vst v61  }
0xb5: {  	[tilespmem:s16+$0x11050] =	vst v13;
	v4 =	vld.idx.msk [tilespmem:v4+s5+$0x0], $0xffff  }
0xb6: {  	s8 =	simm.s32 $0x0;
	s14 =	simm.s32 $0x200;
	v6 =	vld.idx.msk [tilespmem:v6+s5+$0x0], $0xffff;
	[tilespmem:s16+$0x11060] =	vst v8  }
.LBB2_5:
0xb7: {  	s7 =	sshra.s32 s14, $0x2;
	s8 =	sadd.s32 $0x8, s8;
	[tilespmem:s16+$0x13000] =	vst v3;
	v0 =	vld.idx.msk [tilespmem:v0+s5+$0x0], $0xffff  }
0xb8: {  	v3 =	vld [tilespmem:s7+$0x3070];
	p1 =	slt.u32 s8, $0x1F8;
	[tilespmem:s16+$0x13010] =	vst v1  }
0xb9: {  	v1 =	vld [tilespmem:s7+$0x3000];
	[tilespmem:s16+$0x13020] =	vst v2  }
0xba: {  	v2 =	vld [tilespmem:s7+$0x3010];
	[tilespmem:s16+$0x13030] =	vst v4  }
0xbb: {  	v4 =	vld [tilespmem:s7+$0x3020];
	[tilespmem:s16+$0x13040] =	vst v5  }
0xbc: {  	v5 =	vld [tilespmem:s7+$0x3030];
	[tilespmem:s16+$0x13050] =	vst v6  }
0xbd: {  	v6 =	vld [tilespmem:s7+$0x3040];
	[tilespmem:s16+$0x13060] =	vst v0;
	s16 =	smov.u32 s7  }
0xbe: {  	v7 =	vadd.s32 $0x400, v1;
	v8 =	vadd.s32 $0x800, v1;
	v9 =	vadd.s32 $0xC00, v1;
	v10 =	vld [tilespmem:s16+$0x3050]  }
0xbf: {  	v11 =	vadd.s32 $0x400, v2;
	v12 =	vadd.s32 $0x800, v2;
	v13 =	vadd.s32 $0xC00, v2;
	v14 =	vld [tilespmem:s16+$0x3060]  }
0xc0: {  	v15 =	vadd.s32 $0x400, v4;
	v16 =	vadd.s32 $0x800, v4;
	v17 =	vadd.s32 $0xC00, v4;
	v18 =	vld.idx.msk [tilespmem:v3+s5+$0x0], $0xffff  }
0xc1: {  	v1 =	vld.idx.msk [tilespmem:v1+s5+$0x0], $0xffff;
	v19 =	vadd.s32 $0x400, v5;
	v20 =	vadd.s32 $0x800, v5;
	v21 =	vadd.s32 $0xC00, v5  }
0xc2: {  	v24 =	vadd.s32 $0x400, v3;
	v2 =	vld.idx.msk [tilespmem:v2+s5+$0x0], $0xffff;
	v22 =	vadd.s32 $0x400, v6;
	v23 =	vadd.s32 $0x800, v6  }
0xc3: {  	v25 =	vadd.s32 $0xC00, v6;
	v4 =	vld.idx.msk [tilespmem:v4+s5+$0x0], $0xffff;
	v26 =	vadd.s32 $0x400, v10;
	v27 =	vadd.s32 $0x800, v10  }
0xc4: {  	v28 =	vadd.s32 $0xC00, v10;
	v5 =	vld.idx.msk [tilespmem:v5+s5+$0x0], $0xffff;
	v29 =	vadd.s32 $0x400, v14;
	v30 =	vadd.s32 $0x800, v14  }
0xc5: {  	v0 =	vadd.s32 $0xC00, v14;
	v6 =	vld.idx.msk [tilespmem:v6+s5+$0x0], $0xffff  }
0xc6: {  	v10 =	vld.idx.msk [tilespmem:v10+s5+$0x0], $0xffff;
	[tilespmem:s16+$0xD070] =	vst v18  }
0xc7: {  	[tilespmem:s16+$0xD000] =	vst v1;
	v1 =	vld.idx.msk [tilespmem:v24+s5+$0x0], $0xffff  }
0xc8: {  	[tilespmem:s16+$0xD010] =	vst v2;
	v2 =	vld.idx.msk [tilespmem:v14+s5+$0x0], $0xffff  }
0xc9: {  	v7 =	vld.idx.msk [tilespmem:v7+s5+$0x0], $0xffff;
	[tilespmem:s16+$0xD020] =	vst v4;
	v4 =	vadd.s32 $0x800, v3  }
0xca: {  	v11 =	vld.idx.msk [tilespmem:v11+s5+$0x0], $0xffff;
	[tilespmem:s16+$0xD030] =	vst v5  }
0xcb: {  	v5 =	vld.idx.msk [tilespmem:v15+s5+$0x0], $0xffff;
	[tilespmem:s16+$0xD040] =	vst v6  }
0xcc: {  	v6 =	vld.idx.msk [tilespmem:v19+s5+$0x0], $0xffff;
	[tilespmem:s16+$0xD050] =	vst v10  }
0xcd: {  	v10 =	vld.idx.msk [tilespmem:v22+s5+$0x0], $0xffff;
	[tilespmem:s16+$0xF070] =	vst v1  }
0xce: {  	[tilespmem:s16+$0xD060] =	vst v2;
	v1 =	vld.idx.msk [tilespmem:v4+s5+$0x0], $0xffff  }
0xcf: {  	[tilespmem:s16+$0xF000] =	vst v7;
	v2 =	vld.idx.msk [tilespmem:v26+s5+$0x0], $0xffff  }
0xd0: {  	v3 =	vadd.s32 $0xC00, v3;
	[tilespmem:s16+$0xF010] =	vst v11;
	v4 =	vld.idx.msk [tilespmem:v29+s5+$0x0], $0xffff  }
0xd1: {  	v7 =	vld.idx.msk [tilespmem:v8+s5+$0x0], $0xffff;
	[tilespmem:s16+$0xF020] =	vst v5  }
0xd2: {  	v5 =	vld.idx.msk [tilespmem:v12+s5+$0x0], $0xffff;
	[tilespmem:s16+$0xF030] =	vst v6  }
0xd3: {  	v6 =	vld.idx.msk [tilespmem:v16+s5+$0x0], $0xffff;
	[tilespmem:s16+$0xF040] =	vst v10  }
0xd4: {  	v8 =	vld.idx.msk [tilespmem:v20+s5+$0x0], $0xffff;
	[tilespmem:s16+$0x11070] =	vst v1  }
0xd5: {  	[tilespmem:s16+$0xF050] =	vst v2;
	v10 =	vld.idx.msk [tilespmem:v3+s5+$0x0], $0xffff  }
0xd6: {  	v11 =	vld.idx.msk [tilespmem:v23+s5+$0x0], $0xffff;
	[tilespmem:s16+$0xF060] =	vst v4  }
0xd7: {  	[tilespmem:s16+$0x11000] =	vst v7;
	v7 =	vld.idx.msk [tilespmem:v27+s5+$0x0], $0xffff  }
0xd8: {  	[tilespmem:s16+$0x11010] =	vst v5;
	v12 =	vld.idx.msk [tilespmem:v30+s5+$0x0], $0xffff  }
0xd9: {  	v3 =	vld.idx.msk [tilespmem:v9+s5+$0x0], $0xffff;
	[tilespmem:s16+$0x11020] =	vst v6  }
.Ltmp3:
0xda: {  	v1 =	vld.idx.msk [tilespmem:v13+s5+$0x0], $0xffff;
	[tilespmem:s16+$0x11030] =	vst v8;
	(pc) =	sbr.rel @p1 .LBB2_5-.Ltmp3, $4  }
0xdb: {  	v2 =	vld.idx.msk [tilespmem:v17+s5+$0x0], $0xffff;
	[tilespmem:s16+$0x13070] =	vst v10  }
0xdc: {  	v4 =	vld.idx.msk [tilespmem:v21+s5+$0x0], $0xffff;
	[tilespmem:s16+$0x11040] =	vst v11  }
0xdd: {  	v5 =	vld.idx.msk [tilespmem:v25+s5+$0x0], $0xffff;
	[tilespmem:s16+$0x11050] =	vst v7  }
0xde: {  	s14 =	sadd.s32 $0x200, s14;
	v6 =	vld.idx.msk [tilespmem:v28+s5+$0x0], $0xffff;
	[tilespmem:s16+$0x11060] =	vst v12  }
0xdf: {  	_ =	sdelay $0x2  }
0xe0: {  	[tilespmem:s16+$0x13000] =	vst v3  }
0xe1: {  	v0 =	vld.idx.msk [tilespmem:v0+s5+$0x0], $0xffff;
	[tilespmem:s16+$0x13010] =	vst v1  }
0xe2: {  	[tilespmem:s16+$0x13020] =	vst v2  }
0xe3: {  	[tilespmem:s16+$0x13030] =	vst v4  }
0xe4: {  	[tilespmem:s16+$0x13040] =	vst v5  }
0xe5: {  	s3 =	sor.u32 $0x400, s3;
	[tilespmem:s16+$0x13050] =	vst v6  }
0xe6: {  	s7 =	sadd.s32 s4, s3;
	[tilespmem:s16+$0x13060] =	vst v0  }
0xe7: {  	[hbm4b:s7+s5] =	stream.linear.scatter [tilespmem:s24], [sflag:$0x4], $0x2000, $0x38;
	[tilespmem:$0x15000] =	vst v63  }
0xe8: {  	s14 =	sadd.s32 s3, s9  }
0xe9: {  	[hbm4b:s14+s5] =	stream.linear.scatter [tilespmem:s25], [sflag:$0x4], $0x2000, $0x38;
	[tilespmem:$0x15000] =	vst v63  }
.Ltmp4:
0xea: {  	_ = 	snop;
	(pc) =	sbr.rel @p0 .LBB2_8-.Ltmp4, $4  }
0xeb: {  	s16 =	sadd.s32 s3, s10  }
0xec: {  	[hbm4b:s16+s5] =	stream.linear.scatter [tilespmem:s26], [sflag:$0x4], $0x2000, $0x38;
	[tilespmem:$0x15000] =	vst v63  }
0xed: {  	s3 =	sadd.s32 s3, s11  }
0xee: {  	[hbm4b:s3+s5] =	stream.linear.scatter [tilespmem:s28], [sflag:$0x4], $0x2000, $0x38;
	[tilespmem:$0x15000] =	vst v63  }
.Ltmp5:
0xef: {  	(pc) =	sbr.rel .LBB2_2-.Ltmp5, $4  }
0xf0: {  	s0 =	sadd.s32 s0, s13  }
0xf1: {  	s0 =	sshrl.u32 s0, $0x3  }
0xf2: {  	s2 =	sadd.s32 $0x1, s2;
	s0 =	sadd.s32 s1, s0  }
0xf3: {  	[tilespmem:s17], [sflag:$0x2] =	stream.linear.gather [hbm4b:s0+s5], $0x2000, $0x38;
	[tilespmem:$0x15000] =	vst v63  }
.LBB2_9:
0xf4: {  	_ =	sfence.sel $0x180000  }
0xf5: {  	[bflag:$0x0] =	sbarrier.arrive $0xFFFF  }
0xf6: {  	_ =	strace $0x90000047  }
0xf7: {  	s0 =	stileid.u32;
	[bflag:$0x2] =	sbarrier.arrive $0xFFFF  }
0xf8: {  	p0 =	sne.s32 s0, $0x0;
	s0 =	rddreg [dreg:$0x3]  }
0xf9: {  	s0 =	sadd.s32 @!p0 $0x100000, s0  }
0xfa: {  	[sflag:s0] =	ssyncadd.tile.s32 @!p0 $0x1;
	_ =	shalt  }
.Lfunc_end2:
_tile_overlayer_lowered:
.L_overlay_start_2:
0xfb: {  	(tag) =	ssettag $0x2  }
0xfc: {  	s0 =	rddreg [dreg:$0x0];
	s2 =	stileid.u32  }
0xfd: {  	s1 =	rddreg [dreg:$0x1];
	p0 =	sne.s32 s2, $0x0  }
0xfe: {  	s3 =	rddreg [dreg:$0x2];
	[bflag:$0x3] =	sbarrier.arrive $0xFFFF;
	s2 =	simm.s32 @!p0 $0x1C05  }
0xff: {  	[timem:s3], [sflag:s2] =	dma.local @!p0 [hbm:s0], s1  }
0x100: {  	s0 =	simm.s32 @!p0 $0x5  }
0x101: {  	_ =	swait.ge @!p0 [sflag:s0], s1  }
0x102: {  	s1 =	ssub.s32 @!p0 $0x0, s1;
	[sflag:s0] =	ssyncset.done @!p0 $0x0  }
0x103: {  	[sflag:s0] =	ssyncadd.s32 @!p0 s1  }
0x104: {  	[bflag:$0x3] =	sbarrier.arrive $0xFFFF  }
0x105: {  	_ =	shalt  }

</sc_bundles>
